<compile_context>
chip_gen: v7x
topology: tpu7x:2x2x1
jax: 0.10.2.dev20260603
libtpu: 0.0.44.dev20260713+nightly
codegen_flags: <defaults>
</compile_context>

<pallas_src>
import functools

import jax
import jax.numpy as jnp
from jax.experimental import pallas as pl
from jax.experimental.pallas import tpu as pltpu
from jax.experimental.pallas import tpu_sc as plsc

_MARGIN = 0.0
_MOMENTUM = 0.95
_MAX_S = 20.0
_PREV_S = 20.0
_RUNNING_B = 1000.0
_RUNNING_COS = 0.7

_BR = 32
_LANES = 128
_SC_COLS = 6432


def _pass1_kernel(y_sm, x_ref, *args):
    seg_refs = args[:_BR]
    sums_ref, tgt_ref = args[_BR], args[_BR + 1]
    i = pl.program_id(0)
    x = x_ref[...]
    sums_ref[...] = jnp.sum(jnp.exp(x * _PREV_S), axis=1).reshape(1, 1, _BR)
    parts = []
    for r in range(_BR):
        lane = y_sm[i * _BR + r] % _LANES
        m = jax.lax.broadcasted_iota(jnp.int32, (1, _LANES), 1) == lane
        parts.append(jnp.where(m, seg_refs[r][pl.ds(r, 1), :], 0.0))
    tgt = jnp.sum(jnp.concatenate(parts, axis=0), axis=1)
    tgt_ref[...] = tgt.reshape(1, 1, _BR)


def _pass2_kernel(s_ref, x_ref, sums_ref):
    x = x_ref[...]
    sums_ref[...] = jnp.sum(jnp.exp(x * s_ref[0]), axis=1).reshape(1, 1, _BR)


def _make_sc_rowsum(B, C):
    info = plsc.get_sparse_core_info()
    nc, ns = info.num_cores, info.num_subcores
    nw = nc * ns
    rpw = B // nw
    c0 = C - _SC_COLS
    n16 = _SC_COLS // 16
    mesh = plsc.VectorSubcoreMesh(core_axis_name="c", subcore_axis_name="s")

    @functools.partial(
        pl.kernel,
        mesh=mesh,
        out_type=jax.ShapeDtypeStruct((B, 16), jnp.float32),
        scratch_types=[
            pltpu.VMEM((_SC_COLS,), jnp.float32),
            pltpu.VMEM((rpw, 16), jnp.float32),
        ],
    )
    def sc_rowsum(x_hbm, out_hbm, buf, out_v):
        wid = jax.lax.axis_index("s") * nc + jax.lax.axis_index("c")
        base = wid * rpw

        def row_body(j, carry):
            pltpu.sync_copy(x_hbm.at[base + j, pl.ds(c0, _SC_COLS)], buf)

            def chunk(k, accs):
                a0, a1, a2, a3 = accs
                b = k * 64
                a0 = a0 + jnp.exp(buf[pl.ds(b, 16)] * _PREV_S)
                a1 = a1 + jnp.exp(buf[pl.ds(b + 16, 16)] * _PREV_S)
                a2 = a2 + jnp.exp(buf[pl.ds(b + 32, 16)] * _PREV_S)
                a3 = a3 + jnp.exp(buf[pl.ds(b + 48, 16)] * _PREV_S)
                return (a0, a1, a2, a3)

            z = jnp.zeros((16,), jnp.float32)
            a0, a1, a2, a3 = jax.lax.fori_loop(
                0, n16 // 4, chunk, (z, z, z, z)
            )
            out_v[j, :] = (a0 + a1) + (a2 + a3)
            return carry

        jax.lax.fori_loop(0, rpw, row_body, 0)
        pltpu.sync_copy(out_v, out_hbm.at[pl.ds(base, rpw)])

    return sc_rowsum


def kernel(cosine, y_true):
    B, C = cosine.shape
    y_true = y_true.astype(jnp.int32)
    nb = B // _BR
    c_tc = C - _SC_COLS

    sc_sums = _make_sc_rowsum(B, C)(cosine)

    def _seg_spec(r):
        return pl.BlockSpec(
            (_BR, _LANES), lambda i, y: (i, y[i * _BR + r] // _LANES)
        )

    grid_spec = pltpu.PrefetchScalarGridSpec(
        num_scalar_prefetch=1,
        grid=(nb,),
        in_specs=[
            pl.BlockSpec((_BR, c_tc), lambda i, y: (i, 0)),
            *[_seg_spec(r) for r in range(_BR)],
        ],
        out_specs=[
            pl.BlockSpec((1, 1, _BR), lambda i, y: (i, 0, 0)),
            pl.BlockSpec((1, 1, _BR), lambda i, y: (i, 0, 0)),
        ],
    )
    sums3, tgt3 = pl.pallas_call(
        _pass1_kernel,
        grid_spec=grid_spec,
        out_shape=[
            jax.ShapeDtypeStruct((nb, 1, _BR), jnp.float32),
            jax.ShapeDtypeStruct((nb, 1, _BR), jnp.float32),
        ],
        compiler_params=pltpu.CompilerParams(
            dimension_semantics=("parallel",)
        ),
    )(y_true, cosine, *([cosine] * _BR))
    sums = sums3.reshape(B) + jnp.sum(sc_sums, axis=1)
    tgt = tgt3.reshape(B)

    total = jnp.sum(sums)
    b_batch = (total - jnp.sum(jnp.exp(tgt * _PREV_S))) / B
    med_cos = jnp.median(tgt)
    running_b = _RUNNING_B * _MOMENTUM + b_batch * (1.0 - _MOMENTUM)
    running_cos = _RUNNING_COS * _MOMENTUM + med_cos * (1.0 - _MOMENTUM)
    prev_s = jnp.log(running_b) / (jnp.maximum(running_cos, 0.7) - _MARGIN)
    prev_s = jnp.minimum(prev_s, _MAX_S)

    def _fast(_):
        return jnp.mean(jnp.log(sums) - prev_s * tgt)

    def _slow(_):
        sums2 = pl.pallas_call(
            _pass2_kernel,
            grid=(nb,),
            in_specs=[
                pl.BlockSpec(memory_space=pltpu.SMEM),
                pl.BlockSpec((_BR, C), lambda i: (i, 0)),
            ],
            out_specs=pl.BlockSpec((1, 1, _BR), lambda i: (i, 0, 0)),
            out_shape=jax.ShapeDtypeStruct((nb, 1, _BR), jnp.float32),
        )(prev_s[None], cosine)
        return jnp.mean(jnp.log(sums2.reshape(B)) - prev_s * tgt)

    return jax.lax.cond(prev_s == _PREV_S, _fast, _slow, None)

# --- scband reference (transcript-rebuilt; emitter-appended) ---
"""Pipeline reference for scband-ada-cos-31284541784559 (READ-ONLY COPY).

The authoritative reference and input builder live on the scoring server;
editing this copy changes nothing except your own understanding.
"""

import jax, jax.numpy as jnp
import numpy as np

MARGIN = 0.0
MOMENTUM = 0.95
MAX_S = 20.0
PREV_S = 20.0
RUNNING_B = 1000.0
RUNNING_COS = 0.7


def setup_inputs(seed: int = 0) -> dict:
    key = jax.random.key(seed)
    k1, k2 = jax.random.split(key)
    B, C = 1024, 100000
    cosine = jax.random.uniform(k1, (B, C), dtype=jnp.float32)
    y_true = jax.random.randint(k2, (B,), 0, C, dtype=jnp.int32)
    return {"cosine": cosine, "y_true": y_true}


def reference(cosine, y_true):
    B, C = cosine.shape
    y_true = y_true.astype(jnp.int32)
    rows = jnp.arange(B, dtype=jnp.int32)
    # one-hot via scatter-overwrite (torch: zeros_like + scatter_)
    y_one_hot = jnp.zeros_like(cosine).at[rows, y_true].set(1.0)
    # --- stats under no_grad ---
    cos_sg = jax.lax.stop_gradient(cosine)
    non_target_mask = y_one_hot == 0
    B_batch = jnp.sum(jnp.where(non_target_mask, jnp.exp(cos_sg * PREV_S), 0.0)) / B
    target_cos = jnp.take_along_axis(cos_sg, y_true[:, None], axis=1)
    med_cos = jnp.median(target_cos)
    running_B = RUNNING_B * MOMENTUM + B_batch * (1.0 - MOMENTUM)
    running_cos = RUNNING_COS * MOMENTUM + med_cos * (1.0 - MOMENTUM)
    prev_s = jnp.log(running_B) / (jnp.maximum(running_cos, 0.7) - MARGIN)
    prev_s = jnp.minimum(prev_s, MAX_S)
    prev_s = jax.lax.stop_gradient(prev_s)
    # --- margin via scatter-add at target indices ---
    cosine = cosine.at[rows, y_true].add(-MARGIN)
    # --- final criterion: soft-target cross entropy, mean over batch ---
    logits = cosine * prev_s
    log_probs = jax.nn.log_softmax(logits, axis=-1)
    loss = -jnp.sum(y_one_hot * log_probs) / B
    return loss

if __name__ == "__main__":
    import jax
    _d = setup_inputs()
    print(jax.jit(kernel)(*tuple(_d.values())))

</pallas_src>

<mosaic_0001>
#map = affine_map<(d0, d1) -> (0, 0)>
module attributes {stable_mosaic.version = 14 : i64} {
  func.func @sc_rowsum(%arg0: i32, %arg1: i32, %arg2: memref<1024x100000xf32, #tpu.memory_space<hbm>>, %arg3: memref<1024x16xf32, #tpu.memory_space<hbm>>, %arg4: memref<6432xf32, #tpu.memory_space<vmem>>, %arg5: memref<32x16xf32, #tpu.memory_space<vmem>>) attributes {dimension_semantics = [#tpu.dimension_semantics<core_parallel>, #tpu.dimension_semantics<subcore_parallel>], iteration_bounds = array<i64: 2, 16>, scalar_prefetch = 0 : i64, scratch_operands = 2 : i64, tpu.core_type = #tpu.core_type<sc_vector_subcore>, window_params = [{transform_indices = #map}, {transform_indices = #map}]} {
    %mul3A = arith.constant 2 : i32
    %mul3A_0 = arith.muli %arg1, %mul3A : i32
    %add3A = arith.addi %mul3A_0, %arg0 : i32
    %mul3A_1 = arith.constant 32 : i32
    %mul3A_2 = arith.muli %add3A, %mul3A_1 : i32
    %scan3A = arith.constant 0 : i32
    %scan3A_3 = arith.constant 0 : i32
    %scan3A_4 = arith.constant 32 : i32
    %scan3A_5 = arith.addi %scan3A_3, %scan3A_4 : i32
    %scan3A_6 = arith.constant 1 : i32
    scf.for %scan3A_8 = %scan3A_3 to %scan3A_5 step %scan3A_6  : i32 {
      %add3A_9 = arith.addi %mul3A_2, %scan3A_8 : i32
      "tpu.region"() ({
        %run_scoped3A = tpu.sem_alloc : memref<!tpu.dma_semaphore, #tpu.memory_space<semaphore_mem>>
        %dma_start3A = arith.constant 93568 : i32
        %dma_start3A_24 = tpu.memref_slice %arg2[%add3A_9, %dma_start3A] : memref<1024x100000xf32, #tpu.memory_space<hbm>> -> memref<1x6432xf32, #tpu.memory_space<hbm>>
        %dma_start3A_25 = tpu.memref_squeeze %dma_start3A_24 : memref<1x6432xf32, #tpu.memory_space<hbm>> -> memref<6432xf32, #tpu.memory_space<hbm>>
        %dma_start3A_26 = arith.constant 93568 : i32
        %dma_start3A_27 = tpu.memref_slice %arg2[%add3A_9, %dma_start3A_26] : memref<1024x100000xf32, #tpu.memory_space<hbm>> -> memref<1x6432xf32, #tpu.memory_space<hbm>>
        %dma_start3A_28 = tpu.memref_squeeze %dma_start3A_27 : memref<1x6432xf32, #tpu.memory_space<hbm>> -> memref<6432xf32, #tpu.memory_space<hbm>>
        tpu.enqueue_dma source(%dma_start3A_28 : memref<6432xf32, #tpu.memory_space<hbm>>) target(%arg4 : memref<6432xf32, #tpu.memory_space<vmem>>) target_semaphore(%run_scoped3A : memref<!tpu.dma_semaphore, #tpu.memory_space<semaphore_mem>>)
        %dma_wait3A = arith.constant 93568 : i32
        %dma_wait3A_29 = tpu.memref_slice %arg2[%add3A_9, %dma_wait3A] : memref<1024x100000xf32, #tpu.memory_space<hbm>> -> memref<1x6432xf32, #tpu.memory_space<hbm>>
        %dma_wait3A_30 = tpu.memref_squeeze %dma_wait3A_29 : memref<1x6432xf32, #tpu.memory_space<hbm>> -> memref<6432xf32, #tpu.memory_space<hbm>>
        %dma_wait3A_31 = arith.constant 93568 : i32
        %dma_wait3A_32 = tpu.memref_slice %arg2[%add3A_9, %dma_wait3A_31] : memref<1024x100000xf32, #tpu.memory_space<hbm>> -> memref<1x6432xf32, #tpu.memory_space<hbm>>
        %dma_wait3A_33 = tpu.memref_squeeze %dma_wait3A_32 : memref<1x6432xf32, #tpu.memory_space<hbm>> -> memref<6432xf32, #tpu.memory_space<hbm>>
        tpu.wait_dma2 semaphore(%run_scoped3A : memref<!tpu.dma_semaphore, #tpu.memory_space<semaphore_mem>>) src(%dma_wait3A_33 : memref<6432xf32, #tpu.memory_space<hbm>>) dst(%arg4 : memref<6432xf32, #tpu.memory_space<vmem>>)
        tpu.yield
      }) : () -> ()
      %broadcast_in_dim3A = arith.constant 0.000000e+00 : f32
      %broadcast_in_dim3A_10 = vector.broadcast %broadcast_in_dim3A : f32 to vector<16xf32>
      %scan3A_11 = arith.constant 0 : i32
      %scan3A_12 = arith.constant 100 : i32
      %scan3A_13 = arith.addi %scan3A_11, %scan3A_12 : i32
      %scan3A_14 = arith.constant 1 : i32
      %scan3A_15:4 = scf.for %scan3A_24 = %scan3A_11 to %scan3A_13 step %scan3A_14 iter_args(%scan3A_25 = %broadcast_in_dim3A_10, %scan3A_26 = %broadcast_in_dim3A_10, %scan3A_27 = %broadcast_in_dim3A_10, %scan3A_28 = %broadcast_in_dim3A_10) -> (vector<16xf32>, vector<16xf32>, vector<16xf32>, vector<16xf32>)  : i32 {
        %mul3A_29 = arith.constant 64 : i32
        %mul3A_30 = arith.muli %scan3A_24, %mul3A_29 : i32
        %get3A = arith.index_cast %mul3A_30 : i32 to index
        %get3A_31 = tpu.vector_load %arg4[%get3A] {strides = array<i32>} : memref<6432xf32, #tpu.memory_space<vmem>>, vector<16xf32>,
        %get3A_32 = vector.shape_cast %get3A_31 : vector<16xf32> to vector<16xf32>
        %mul3A_33 = arith.constant 2.000000e+01 : f32
        %mul3A_34 = vector.broadcast %mul3A_33 : f32 to vector<16xf32>
        %mul3A_35 = arith.mulf %get3A_32, %mul3A_34 : vector<16xf32>
        %exp3A = math.exp %mul3A_35 : vector<16xf32>
        %add3A_36 = arith.addf %scan3A_25, %exp3A : vector<16xf32>
        %add3A_37 = arith.constant 16 : i32
        %add3A_38 = arith.addi %mul3A_30, %add3A_37 : i32
        %get3A_39 = arith.index_cast %add3A_38 : i32 to index
        %get3A_40 = tpu.vector_load %arg4[%get3A_39] {strides = array<i32>} : memref<6432xf32, #tpu.memory_space<vmem>>, vector<16xf32>,
        %get3A_41 = vector.shape_cast %get3A_40 : vector<16xf32> to vector<16xf32>
        %mul3A_42 = arith.constant 2.000000e+01 : f32
        %mul3A_43 = vector.broadcast %mul3A_42 : f32 to vector<16xf32>
        %mul3A_44 = arith.mulf %get3A_41, %mul3A_43 : vector<16xf32>
        %exp3A_45 = math.exp %mul3A_44 : vector<16xf32>
        %add3A_46 = arith.addf %scan3A_26, %exp3A_45 : vector<16xf32>
        %add3A_47 = arith.constant 32 : i32
        %add3A_48 = arith.addi %mul3A_30, %add3A_47 : i32
        %get3A_49 = arith.index_cast %add3A_48 : i32 to index
        %get3A_50 = tpu.vector_load %arg4[%get3A_49] {strides = array<i32>} : memref<6432xf32, #tpu.memory_space<vmem>>, vector<16xf32>,
        %get3A_51 = vector.shape_cast %get3A_50 : vector<16xf32> to vector<16xf32>
        %mul3A_52 = arith.constant 2.000000e+01 : f32
        %mul3A_53 = vector.broadcast %mul3A_52 : f32 to vector<16xf32>
        %mul3A_54 = arith.mulf %get3A_51, %mul3A_53 : vector<16xf32>
        %exp3A_55 = math.exp %mul3A_54 : vector<16xf32>
        %add3A_56 = arith.addf %scan3A_27, %exp3A_55 : vector<16xf32>
        %add3A_57 = arith.constant 48 : i32
        %add3A_58 = arith.addi %mul3A_30, %add3A_57 : i32
        %get3A_59 = arith.index_cast %add3A_58 : i32 to index
        %get3A_60 = tpu.vector_load %arg4[%get3A_59] {strides = array<i32>} : memref<6432xf32, #tpu.memory_space<vmem>>, vector<16xf32>,
        %get3A_61 = vector.shape_cast %get3A_60 : vector<16xf32> to vector<16xf32>
        %mul3A_62 = arith.constant 2.000000e+01 : f32
        %mul3A_63 = vector.broadcast %mul3A_62 : f32 to vector<16xf32>
        %mul3A_64 = arith.mulf %get3A_61, %mul3A_63 : vector<16xf32>
        %exp3A_65 = math.exp %mul3A_64 : vector<16xf32>
        %add3A_66 = arith.addf %scan3A_28, %exp3A_65 : vector<16xf32>
        scf.yield %add3A_36, %add3A_46, %add3A_56, %add3A_66 : vector<16xf32>, vector<16xf32>, vector<16xf32>, vector<16xf32>
      }
      %scan3A_16 = arith.constant 100 : i32
      %add3A_17 = arith.addf %scan3A_15#0, %scan3A_15#1 : vector<16xf32>
      %add3A_18 = arith.addf %scan3A_15#2, %scan3A_15#3 : vector<16xf32>
      %add3A_19 = arith.addf %add3A_17, %add3A_18 : vector<16xf32>
      %swap3A = arith.index_cast %scan3A_8 : i32 to index
      %swap3A_20 = arith.constant 0 : index
      %swap3A_21 = tpu.vector_load %arg5[%swap3A, %swap3A_20] {strides = array<i32>} : memref<32x16xf32, #tpu.memory_space<vmem>>, vector<1x16xf32>,
      %swap3A_22 = vector.shape_cast %swap3A_21 : vector<1x16xf32> to vector<16xf32>
      %swap3A_23 = vector.shape_cast %add3A_19 : vector<16xf32> to vector<1x16xf32>
      tpu.vector_store %arg5[%swap3A, %swap3A_20], %swap3A_23 {strides = array<i32>} : memref<32x16xf32, #tpu.memory_space<vmem>>, vector<1x16xf32>,
    }
    %scan3A_7 = arith.constant 32 : i32
    "tpu.region"() ({
      %run_scoped3A = tpu.sem_alloc : memref<!tpu.dma_semaphore, #tpu.memory_space<semaphore_mem>>
      %dma_start3A = arith.constant 0 : i32
      %dma_start3A_8 = tpu.memref_slice %arg3[%mul3A_2, %dma_start3A] : memref<1024x16xf32, #tpu.memory_space<hbm>> -> memref<32x16xf32, #tpu.memory_space<hbm>>
      %dma_start3A_9 = arith.constant 0 : i32
      %dma_start3A_10 = tpu.memref_slice %arg3[%mul3A_2, %dma_start3A_9] : memref<1024x16xf32, #tpu.memory_space<hbm>> -> memref<32x16xf32, #tpu.memory_space<hbm>>
      tpu.enqueue_dma source(%arg5 : memref<32x16xf32, #tpu.memory_space<vmem>>) target(%dma_start3A_10 : memref<32x16xf32, #tpu.memory_space<hbm>>) target_semaphore(%run_scoped3A : memref<!tpu.dma_semaphore, #tpu.memory_space<semaphore_mem>>)
      %dma_wait3A = arith.constant 0 : i32
      %dma_wait3A_11 = tpu.memref_slice %arg3[%mul3A_2, %dma_wait3A] : memref<1024x16xf32, #tpu.memory_space<hbm>> -> memref<32x16xf32, #tpu.memory_space<hbm>>
      %dma_wait3A_12 = arith.constant 0 : i32
      %dma_wait3A_13 = tpu.memref_slice %arg3[%mul3A_2, %dma_wait3A_12] : memref<1024x16xf32, #tpu.memory_space<hbm>> -> memref<32x16xf32, #tpu.memory_space<hbm>>
      tpu.wait_dma2 semaphore(%run_scoped3A : memref<!tpu.dma_semaphore, #tpu.memory_space<semaphore_mem>>) src(%arg5 : memref<32x16xf32, #tpu.memory_space<vmem>>) dst(%dma_wait3A_13 : memref<32x16xf32, #tpu.memory_space<hbm>>)
      tpu.yield
    }) : () -> ()
    return
  }
}

module attributes {stable_mosaic.version = 14 : i64} {
  func.func @_pass1_kernel(%arg0: i32, %arg1: memref<1024xi32, #tpu.memory_space<smem>>, %arg2: memref<32x93568xf32, #tpu.memory_space<vmem>>, %arg3: memref<32x128xf32, #tpu.memory_space<vmem>>, %arg4: memref<32x128xf32, #tpu.memory_space<vmem>>, %arg5: memref<32x128xf32, #tpu.memory_space<vmem>>, %arg6: memref<32x128xf32, #tpu.memory_space<vmem>>, %arg7: memref<32x128xf32, #tpu.memory_space<vmem>>, %arg8: memref<32x128xf32, #tpu.memory_space<vmem>>, %arg9: memref<32x128xf32, #tpu.memory_space<vmem>>, %arg10: memref<32x128xf32, #tpu.memory_space<vmem>>, %arg11: memref<32x128xf32, #tpu.memory_space<vmem>>, %arg12: memref<32x128xf32, #tpu.memory_space<vmem>>, %arg13: memref<32x128xf32, #tpu.memory_space<vmem>>, %arg14: memref<32x128xf32, #tpu.memory_space<vmem>>, %arg15: memref<32x128xf32, #tpu.memory_space<vmem>>, %arg16: memref<32x128xf32, #tpu.memory_space<vmem>>, %arg17: memref<32x128xf32, #tpu.memory_space<vmem>>, %arg18: memref<32x128xf32, #tpu.memory_space<vmem>>, %arg19: memref<32x128xf32, #tpu.memory_space<vmem>>, %arg20: memref<32x128xf32, #tpu.memory_space<vmem>>, %arg21: memref<32x128xf32, #tpu.memory_space<vmem>>, %arg22: memref<32x128xf32, #tpu.memory_space<vmem>>, %arg23: memref<32x128xf32, #tpu.memory_space<vmem>>, %arg24: memref<32x128xf32, #tpu.memory_space<vmem>>, %arg25: memref<32x128xf32, #tpu.memory_space<vmem>>, %arg26: memref<32x128xf32, #tpu.memory_space<vmem>>, %arg27: memref<32x128xf32, #tpu.memory_space<vmem>>, %arg28: memref<32x128xf32, #tpu.memory_space<vmem>>, %arg29: memref<32x128xf32, #tpu.memory_space<vmem>>, %arg30: memref<32x128xf32, #tpu.memory_space<vmem>>, %arg31: memref<32x128xf32, #tpu.memory_space<vmem>>, %arg32: memref<32x128xf32, #tpu.memory_space<vmem>>, %arg33: memref<32x128xf32, #tpu.memory_space<vmem>>, %arg34: memref<32x128xf32, #tpu.memory_space<vmem>>, %arg35: memref<1x1x32xf32, #tpu.memory_space<vmem>>, %arg36: memref<1x1x32xf32, #tpu.memory_space<vmem>>) attributes {dimension_semantics = [#tpu.dimension_semantics<parallel>], iteration_bounds = array<i64: 32>, scalar_prefetch = 1 : i64, scratch_operands = 0 : i64, tpu.core_type = #tpu.core_type<tc>, window_params = [{transform_indices = @transform_0, window_bounds = array<i64: 32, 93568>}, {transform_indices = @transform_1, window_bounds = array<i64: 32, 128>}, {transform_indices = @transform_2, window_bounds = array<i64: 32, 128>}, {transform_indices = @transform_3, window_bounds = array<i64: 32, 128>}, {transform_indices = @transform_4, window_bounds = array<i64: 32, 128>}, {transform_indices = @transform_5, window_bounds = array<i64: 32, 128>}, {transform_indices = @transform_6, window_bounds = array<i64: 32, 128>}, {transform_indices = @transform_7, window_bounds = array<i64: 32, 128>}, {transform_indices = @transform_8, window_bounds = array<i64: 32, 128>}, {transform_indices = @transform_9, window_bounds = array<i64: 32, 128>}, {transform_indices = @transform_10, window_bounds = array<i64: 32, 128>}, {transform_indices = @transform_11, window_bounds = array<i64: 32, 128>}, {transform_indices = @transform_12, window_bounds = array<i64: 32, 128>}, {transform_indices = @transform_13, window_bounds = array<i64: 32, 128>}, {transform_indices = @transform_14, window_bounds = array<i64: 32, 128>}, {transform_indices = @transform_15, window_bounds = array<i64: 32, 128>}, {transform_indices = @transform_16, window_bounds = array<i64: 32, 128>}, {transform_indices = @transform_17, window_bounds = array<i64: 32, 128>}, {transform_indices = @transform_18, window_bounds = array<i64: 32, 128>}, {transform_indices = @transform_19, window_bounds = array<i64: 32, 128>}, {transform_indices = @transform_20, window_bounds = array<i64: 32, 128>}, {transform_indices = @transform_21, window_bounds = array<i64: 32, 128>}, {transform_indices = @transform_22, window_bounds = array<i64: 32, 128>}, {transform_indices = @transform_23, window_bounds = array<i64: 32, 128>}, {transform_indices = @transform_24, window_bounds = array<i64: 32, 128>}, {transform_indices = @transform_25, window_bounds = array<i64: 32, 128>}, {transform_indices = @transform_26, window_bounds = array<i64: 32, 128>}, {transform_indices = @transform_27, window_bounds = array<i64: 32, 128>}, {transform_indices = @transform_28, window_bounds = array<i64: 32, 128>}, {transform_indices = @transform_29, window_bounds = array<i64: 32, 128>}, {transform_indices = @transform_30, window_bounds = array<i64: 32, 128>}, {transform_indices = @transform_31, window_bounds = array<i64: 32, 128>}, {transform_indices = @transform_32, window_bounds = array<i64: 32, 128>}, {transform_indices = @transform_33, window_bounds = array<i64: 1, 1, 32>}, {transform_indices = @transform_34, window_bounds = array<i64: 1, 1, 32>}]} {
    %get3A = arith.constant 0 : index
    %get3A_0 = arith.constant 0 : index
    %get3A_1 = vector.load %arg2[%get3A, %get3A_0] : memref<32x93568xf32, #tpu.memory_space<vmem>>, vector<32x93568xf32>
    %mul3A = arith.constant 2.000000e+01 : f32
    %mul3A_2 = vector.broadcast %mul3A : f32 to vector<32x93568xf32>
    %mul3A_3 = arith.mulf %get3A_1, %mul3A_2 : vector<32x93568xf32>
    %exp3A = math.exp %mul3A_3 : vector<32x93568xf32>
    %reduce_sum3A = arith.constant dense<0.000000e+00> : vector<32xf32>
    %reduce_sum3A_4 = vector.multi_reduction <add>, %exp3A, %reduce_sum3A [1] : vector<32x93568xf32> to vector<32xf32>
    %reshape3A = vector.shape_cast %reduce_sum3A_4 : vector<32xf32> to vector<1x1x32xf32>
    %swap3A = arith.constant 0 : index
    %swap3A_5 = arith.constant 0 : index
    %swap3A_6 = arith.constant 0 : index
    %swap3A_7 = vector.load %arg35[%swap3A, %swap3A_5, %swap3A_6] : memref<1x1x32xf32, #tpu.memory_space<vmem>>, vector<1x1x32xf32>
    tpu.vector_store %arg35[%swap3A, %swap3A_5, %swap3A_6], %reshape3A {strides = array<i32>} : memref<1x1x32xf32, #tpu.memory_space<vmem>>, vector<1x1x32xf32>,
    %mul3A_8 = arith.constant 32 : i32
    %mul3A_9 = arith.muli %arg0, %mul3A_8 : i32
    %add3A = arith.constant 0 : i32
    %add3A_10 = arith.addi %mul3A_9, %add3A : i32
    %get3A_11 = arith.index_cast %add3A_10 : i32 to index
    %get3A_12 = memref.load %arg1[%get3A_11] : memref<1024xi32, #tpu.memory_space<smem>>
    %jit3A = arith.constant 128 : i32
    %eq3A = arith.constant 0 : i32
    %eq3A_13 = arith.cmpi eq, %jit3A, %eq3A : i32
    %jit3A_14 = arith.constant 1 : i32
    %select_n3A = arith.select %eq3A_13, %jit3A_14, %jit3A : i32
    %rem3A = arith.remsi %get3A_12, %select_n3A : i32
    %ne3A = arith.constant 0 : i32
    %ne3A_15 = arith.cmpi ne, %rem3A, %ne3A : i32
    %lt3A = arith.constant 0 : i32
    %lt3A_16 = arith.cmpi slt, %rem3A, %lt3A : i32
    %lt3A_17 = arith.constant 0 : i32
    %lt3A_18 = arith.cmpi slt, %select_n3A, %lt3A_17 : i32
    %ne3A_19 = arith.xori %lt3A_16, %lt3A_18 : i1
    %and3A = arith.andi %ne3A_19, %ne3A_15 : i1
    %add3A_20 = arith.addi %rem3A, %select_n3A : i32
    %select_n3A_21 = arith.select %and3A, %add3A_20, %rem3A : i32
    %iota3A = tpu.iota {dimensions = array<i32: 1>} : vector<1x128xi32>
    %eq3A_22 = vector.broadcast %select_n3A_21 : i32 to vector<1x128xi32>
    %eq3A_23 = arith.cmpi eq, %iota3A, %eq3A_22 : vector<1x128xi32>
    %get3A_24 = arith.constant 0 : index
    %get3A_25 = arith.constant 0 : index
    %get3A_26 = vector.load %arg3[%get3A_24, %get3A_25] : memref<32x128xf32, #tpu.memory_space<vmem>>, vector<1x128xf32>
    %jit3A_27 = arith.constant 0.000000e+00 : f32
    %broadcast_in_dim3A = vector.broadcast %jit3A_27 : f32 to vector<1x128xf32>
    %select_n3A_28 = arith.select %eq3A_23, %get3A_26, %broadcast_in_dim3A : vector<1x128xi1>, vector<1x128xf32>
    %mul3A_29 = arith.constant 32 : i32
    %mul3A_30 = arith.muli %arg0, %mul3A_29 : i32
    %add3A_31 = arith.constant 1 : i32
    %add3A_32 = arith.addi %mul3A_30, %add3A_31 : i32
    %get3A_33 = arith.index_cast %add3A_32 : i32 to index
    %get3A_34 = memref.load %arg1[%get3A_33] : memref<1024xi32, #tpu.memory_space<smem>>
    %jit3A_35 = arith.constant 128 : i32
    %eq3A_36 = arith.constant 0 : i32
    %eq3A_37 = arith.cmpi eq, %jit3A_35, %eq3A_36 : i32
    %jit3A_38 = arith.constant 1 : i32
    %select_n3A_39 = arith.select %eq3A_37, %jit3A_38, %jit3A_35 : i32
    %rem3A_40 = arith.remsi %get3A_34, %select_n3A_39 : i32
    %ne3A_41 = arith.constant 0 : i32
    %ne3A_42 = arith.cmpi ne, %rem3A_40, %ne3A_41 : i32
    %lt3A_43 = arith.constant 0 : i32
    %lt3A_44 = arith.cmpi slt, %rem3A_40, %lt3A_43 : i32
    %lt3A_45 = arith.constant 0 : i32
    %lt3A_46 = arith.cmpi slt, %select_n3A_39, %lt3A_45 : i32
    %ne3A_47 = arith.xori %lt3A_44, %lt3A_46 : i1
    %and3A_48 = arith.andi %ne3A_47, %ne3A_42 : i1
    %add3A_49 = arith.addi %rem3A_40, %select_n3A_39 : i32
    %select_n3A_50 = arith.select %and3A_48, %add3A_49, %rem3A_40 : i32
    %iota3A_51 = tpu.iota {dimensions = array<i32: 1>} : vector<1x128xi32>
    %eq3A_52 = vector.broadcast %select_n3A_50 : i32 to vector<1x128xi32>
    %eq3A_53 = arith.cmpi eq, %iota3A_51, %eq3A_52 : vector<1x128xi32>
    %get3A_54 = arith.constant 1 : index
    %get3A_55 = arith.constant 0 : index
    %get3A_56 = vector.load %arg4[%get3A_54, %get3A_55] : memref<32x128xf32, #tpu.memory_space<vmem>>, vector<1x128xf32>
    %jit3A_57 = arith.constant 0.000000e+00 : f32
    %broadcast_in_dim3A_58 = vector.broadcast %jit3A_57 : f32 to vector<1x128xf32>
    %select_n3A_59 = arith.select %eq3A_53, %get3A_56, %broadcast_in_dim3A_58 : vector<1x128xi1>, vector<1x128xf32>
    %mul3A_60 = arith.constant 32 : i32
    %mul3A_61 = arith.muli %arg0, %mul3A_60 : i32
    %add3A_62 = arith.constant 2 : i32
    %add3A_63 = arith.addi %mul3A_61, %add3A_62 : i32
    %get3A_64 = arith.index_cast %add3A_63 : i32 to index
    %get3A_65 = memref.load %arg1[%get3A_64] : memref<1024xi32, #tpu.memory_space<smem>>
    %jit3A_66 = arith.constant 128 : i32
    %eq3A_67 = arith.constant 0 : i32
    %eq3A_68 = arith.cmpi eq, %jit3A_66, %eq3A_67 : i32
    %jit3A_69 = arith.constant 1 : i32
    %select_n3A_70 = arith.select %eq3A_68, %jit3A_69, %jit3A_66 : i32
    %rem3A_71 = arith.remsi %get3A_65, %select_n3A_70 : i32
    %ne3A_72 = arith.constant 0 : i32
    %ne3A_73 = arith.cmpi ne, %rem3A_71, %ne3A_72 : i32
    %lt3A_74 = arith.constant 0 : i32
    %lt3A_75 = arith.cmpi slt, %rem3A_71, %lt3A_74 : i32
    %lt3A_76 = arith.constant 0 : i32
    %lt3A_77 = arith.cmpi slt, %select_n3A_70, %lt3A_76 : i32
    %ne3A_78 = arith.xori %lt3A_75, %lt3A_77 : i1
    %and3A_79 = arith.andi %ne3A_78, %ne3A_73 : i1
    %add3A_80 = arith.addi %rem3A_71, %select_n3A_70 : i32
    %select_n3A_81 = arith.select %and3A_79, %add3A_80, %rem3A_71 : i32
    %iota3A_82 = tpu.iota {dimensions = array<i32: 1>} : vector<1x128xi32>
    %eq3A_83 = vector.broadcast %select_n3A_81 : i32 to vector<1x128xi32>
    %eq3A_84 = arith.cmpi eq, %iota3A_82, %eq3A_83 : vector<1x128xi32>
    %get3A_85 = arith.constant 2 : index
    %get3A_86 = arith.constant 0 : index
    %get3A_87 = vector.load %arg5[%get3A_85, %get3A_86] : memref<32x128xf32, #tpu.memory_space<vmem>>, vector<1x128xf32>
    %jit3A_88 = arith.constant 0.000000e+00 : f32
    %broadcast_in_dim3A_89 = vector.broadcast %jit3A_88 : f32 to vector<1x128xf32>
    %select_n3A_90 = arith.select %eq3A_84, %get3A_87, %broadcast_in_dim3A_89 : vector<1x128xi1>, vector<1x128xf32>
    %mul3A_91 = arith.constant 32 : i32
    %mul3A_92 = arith.muli %arg0, %mul3A_91 : i32
    %add3A_93 = arith.constant 3 : i32
    %add3A_94 = arith.addi %mul3A_92, %add3A_93 : i32
    %get3A_95 = arith.index_cast %add3A_94 : i32 to index
    %get3A_96 = memref.load %arg1[%get3A_95] : memref<1024xi32, #tpu.memory_space<smem>>
    %jit3A_97 = arith.constant 128 : i32
    %eq3A_98 = arith.constant 0 : i32
    %eq3A_99 = arith.cmpi eq, %jit3A_97, %eq3A_98 : i32
    %jit3A_100 = arith.constant 1 : i32
    %select_n3A_101 = arith.select %eq3A_99, %jit3A_100, %jit3A_97 : i32
    %rem3A_102 = arith.remsi %get3A_96, %select_n3A_101 : i32
    %ne3A_103 = arith.constant 0 : i32
    %ne3A_104 = arith.cmpi ne, %rem3A_102, %ne3A_103 : i32
    %lt3A_105 = arith.constant 0 : i32
    %lt3A_106 = arith.cmpi slt, %rem3A_102, %lt3A_105 : i32
    %lt3A_107 = arith.constant 0 : i32
    %lt3A_108 = arith.cmpi slt, %select_n3A_101, %lt3A_107 : i32
    %ne3A_109 = arith.xori %lt3A_106, %lt3A_108 : i1
    %and3A_110 = arith.andi %ne3A_109, %ne3A_104 : i1
    %add3A_111 = arith.addi %rem3A_102, %select_n3A_101 : i32
    %select_n3A_112 = arith.select %and3A_110, %add3A_111, %rem3A_102 : i32
    %iota3A_113 = tpu.iota {dimensions = array<i32: 1>} : vector<1x128xi32>
    %eq3A_114 = vector.broadcast %select_n3A_112 : i32 to vector<1x128xi32>
    %eq3A_115 = arith.cmpi eq, %iota3A_113, %eq3A_114 : vector<1x128xi32>
    %get3A_116 = arith.constant 3 : index
    %get3A_117 = arith.constant 0 : index
    %get3A_118 = vector.load %arg6[%get3A_116, %get3A_117] : memref<32x128xf32, #tpu.memory_space<vmem>>, vector<1x128xf32>
    %jit3A_119 = arith.constant 0.000000e+00 : f32
    %broadcast_in_dim3A_120 = vector.broadcast %jit3A_119 : f32 to vector<1x128xf32>
    %select_n3A_121 = arith.select %eq3A_115, %get3A_118, %broadcast_in_dim3A_120 : vector<1x128xi1>, vector<1x128xf32>
    %mul3A_122 = arith.constant 32 : i32
    %mul3A_123 = arith.muli %arg0, %mul3A_122 : i32
    %add3A_124 = arith.constant 4 : i32
    %add3A_125 = arith.addi %mul3A_123, %add3A_124 : i32
    %get3A_126 = arith.index_cast %add3A_125 : i32 to index
    %get3A_127 = memref.load %arg1[%get3A_126] : memref<1024xi32, #tpu.memory_space<smem>>
    %jit3A_128 = arith.constant 128 : i32
    %eq3A_129 = arith.constant 0 : i32
    %eq3A_130 = arith.cmpi eq, %jit3A_128, %eq3A_129 : i32
    %jit3A_131 = arith.constant 1 : i32
    %select_n3A_132 = arith.select %eq3A_130, %jit3A_131, %jit3A_128 : i32
    %rem3A_133 = arith.remsi %get3A_127, %select_n3A_132 : i32
    %ne3A_134 = arith.constant 0 : i32
    %ne3A_135 = arith.cmpi ne, %rem3A_133, %ne3A_134 : i32
    %lt3A_136 = arith.constant 0 : i32
    %lt3A_137 = arith.cmpi slt, %rem3A_133, %lt3A_136 : i32
    %lt3A_138 = arith.constant 0 : i32
    %lt3A_139 = arith.cmpi slt, %select_n3A_132, %lt3A_138 : i32
    %ne3A_140 = arith.xori %lt3A_137, %lt3A_139 : i1
    %and3A_141 = arith.andi %ne3A_140, %ne3A_135 : i1
    %add3A_142 = arith.addi %rem3A_133, %select_n3A_132 : i32
    %select_n3A_143 = arith.select %and3A_141, %add3A_142, %rem3A_133 : i32
    %iota3A_144 = tpu.iota {dimensions = array<i32: 1>} : vector<1x128xi32>
    %eq3A_145 = vector.broadcast %select_n3A_143 : i32 to vector<1x128xi32>
    %eq3A_146 = arith.cmpi eq, %iota3A_144, %eq3A_145 : vector<1x128xi32>
    %get3A_147 = arith.constant 4 : index
    %get3A_148 = arith.constant 0 : index
    %get3A_149 = vector.load %arg7[%get3A_147, %get3A_148] : memref<32x128xf32, #tpu.memory_space<vmem>>, vector<1x128xf32>
    %jit3A_150 = arith.constant 0.000000e+00 : f32
    %broadcast_in_dim3A_151 = vector.broadcast %jit3A_150 : f32 to vector<1x128xf32>
    %select_n3A_152 = arith.select %eq3A_146, %get3A_149, %broadcast_in_dim3A_151 : vector<1x128xi1>, vector<1x128xf32>
    %mul3A_153 = arith.constant 32 : i32
    %mul3A_154 = arith.muli %arg0, %mul3A_153 : i32
    %add3A_155 = arith.constant 5 : i32
    %add3A_156 = arith.addi %mul3A_154, %add3A_155 : i32
    %get3A_157 = arith.index_cast %add3A_156 : i32 to index
    %get3A_158 = memref.load %arg1[%get3A_157] : memref<1024xi32, #tpu.memory_space<smem>>
    %jit3A_159 = arith.constant 128 : i32
    %eq3A_160 = arith.constant 0 : i32
    %eq3A_161 = arith.cmpi eq, %jit3A_159, %eq3A_160 : i32
    %jit3A_162 = arith.constant 1 : i32
    %select_n3A_163 = arith.select %eq3A_161, %jit3A_162, %jit3A_159 : i32
    %rem3A_164 = arith.remsi %get3A_158, %select_n3A_163 : i32
    %ne3A_165 = arith.constant 0 : i32
    %ne3A_166 = arith.cmpi ne, %rem3A_164, %ne3A_165 : i32
    %lt3A_167 = arith.constant 0 : i32
    %lt3A_168 = arith.cmpi slt, %rem3A_164, %lt3A_167 : i32
    %lt3A_169 = arith.constant 0 : i32
    %lt3A_170 = arith.cmpi slt, %select_n3A_163, %lt3A_169 : i32
    %ne3A_171 = arith.xori %lt3A_168, %lt3A_170 : i1
    %and3A_172 = arith.andi %ne3A_171, %ne3A_166 : i1
    %add3A_173 = arith.addi %rem3A_164, %select_n3A_163 : i32
    %select_n3A_174 = arith.select %and3A_172, %add3A_173, %rem3A_164 : i32
    %iota3A_175 = tpu.iota {dimensions = array<i32: 1>} : vector<1x128xi32>
    %eq3A_176 = vector.broadcast %select_n3A_174 : i32 to vector<1x128xi32>
    %eq3A_177 = arith.cmpi eq, %iota3A_175, %eq3A_176 : vector<1x128xi32>
    %get3A_178 = arith.constant 5 : index
    %get3A_179 = arith.constant 0 : index
    %get3A_180 = vector.load %arg8[%get3A_178, %get3A_179] : memref<32x128xf32, #tpu.memory_space<vmem>>, vector<1x128xf32>
    %jit3A_181 = arith.constant 0.000000e+00 : f32
    %broadcast_in_dim3A_182 = vector.broadcast %jit3A_181 : f32 to vector<1x128xf32>
    %select_n3A_183 = arith.select %eq3A_177, %get3A_180, %broadcast_in_dim3A_182 : vector<1x128xi1>, vector<1x128xf32>
    %mul3A_184 = arith.constant 32 : i32
    %mul3A_185 = arith.muli %arg0, %mul3A_184 : i32
    %add3A_186 = arith.constant 6 : i32
    %add3A_187 = arith.addi %mul3A_185, %add3A_186 : i32
    %get3A_188 = arith.index_cast %add3A_187 : i32 to index
    %get3A_189 = memref.load %arg1[%get3A_188] : memref<1024xi32, #tpu.memory_space<smem>>
    %jit3A_190 = arith.constant 128 : i32
    %eq3A_191 = arith.constant 0 : i32
    %eq3A_192 = arith.cmpi eq, %jit3A_190, %eq3A_191 : i32
    %jit3A_193 = arith.constant 1 : i32
    %select_n3A_194 = arith.select %eq3A_192, %jit3A_193, %jit3A_190 : i32
    %rem3A_195 = arith.remsi %get3A_189, %select_n3A_194 : i32
    %ne3A_196 = arith.constant 0 : i32
    %ne3A_197 = arith.cmpi ne, %rem3A_195, %ne3A_196 : i32
    %lt3A_198 = arith.constant 0 : i32
    %lt3A_199 = arith.cmpi slt, %rem3A_195, %lt3A_198 : i32
    %lt3A_200 = arith.constant 0 : i32
    %lt3A_201 = arith.cmpi slt, %select_n3A_194, %lt3A_200 : i32
    %ne3A_202 = arith.xori %lt3A_199, %lt3A_201 : i1
    %and3A_203 = arith.andi %ne3A_202, %ne3A_197 : i1
    %add3A_204 = arith.addi %rem3A_195, %select_n3A_194 : i32
    %select_n3A_205 = arith.select %and3A_203, %add3A_204, %rem3A_195 : i32
    %iota3A_206 = tpu.iota {dimensions = array<i32: 1>} : vector<1x128xi32>
    %eq3A_207 = vector.broadcast %select_n3A_205 : i32 to vector<1x128xi32>
    %eq3A_208 = arith.cmpi eq, %iota3A_206, %eq3A_207 : vector<1x128xi32>
    %get3A_209 = arith.constant 6 : index
    %get3A_210 = arith.constant 0 : index
    %get3A_211 = vector.load %arg9[%get3A_209, %get3A_210] : memref<32x128xf32, #tpu.memory_space<vmem>>, vector<1x128xf32>
    %jit3A_212 = arith.constant 0.000000e+00 : f32
    %broadcast_in_dim3A_213 = vector.broadcast %jit3A_212 : f32 to vector<1x128xf32>
    %select_n3A_214 = arith.select %eq3A_208, %get3A_211, %broadcast_in_dim3A_213 : vector<1x128xi1>, vector<1x128xf32>
    %mul3A_215 = arith.constant 32 : i32
    %mul3A_216 = arith.muli %arg0, %mul3A_215 : i32
    %add3A_217 = arith.constant 7 : i32
    %add3A_218 = arith.addi %mul3A_216, %add3A_217 : i32
    %get3A_219 = arith.index_cast %add3A_218 : i32 to index
    %get3A_220 = memref.load %arg1[%get3A_219] : memref<1024xi32, #tpu.memory_space<smem>>
    %jit3A_221 = arith.constant 128 : i32
    %eq3A_222 = arith.constant 0 : i32
    %eq3A_223 = arith.cmpi eq, %jit3A_221, %eq3A_222 : i32
    %jit3A_224 = arith.constant 1 : i32
    %select_n3A_225 = arith.select %eq3A_223, %jit3A_224, %jit3A_221 : i32
    %rem3A_226 = arith.remsi %get3A_220, %select_n3A_225 : i32
    %ne3A_227 = arith.constant 0 : i32
    %ne3A_228 = arith.cmpi ne, %rem3A_226, %ne3A_227 : i32
    %lt3A_229 = arith.constant 0 : i32
    %lt3A_230 = arith.cmpi slt, %rem3A_226, %lt3A_229 : i32
    %lt3A_231 = arith.constant 0 : i32
    %lt3A_232 = arith.cmpi slt, %select_n3A_225, %lt3A_231 : i32
    %ne3A_233 = arith.xori %lt3A_230, %lt3A_232 : i1
    %and3A_234 = arith.andi %ne3A_233, %ne3A_228 : i1
    %add3A_235 = arith.addi %rem3A_226, %select_n3A_225 : i32
    %select_n3A_236 = arith.select %and3A_234, %add3A_235, %rem3A_226 : i32
    %iota3A_237 = tpu.iota {dimensions = array<i32: 1>} : vector<1x128xi32>
    %eq3A_238 = vector.broadcast %select_n3A_236 : i32 to vector<1x128xi32>
    %eq3A_239 = arith.cmpi eq, %iota3A_237, %eq3A_238 : vector<1x128xi32>
    %get3A_240 = arith.constant 7 : index
    %get3A_241 = arith.constant 0 : index
    %get3A_242 = vector.load %arg10[%get3A_240, %get3A_241] : memref<32x128xf32, #tpu.memory_space<vmem>>, vector<1x128xf32>
    %jit3A_243 = arith.constant 0.000000e+00 : f32
    %broadcast_in_dim3A_244 = vector.broadcast %jit3A_243 : f32 to vector<1x128xf32>
    %select_n3A_245 = arith.select %eq3A_239, %get3A_242, %broadcast_in_dim3A_244 : vector<1x128xi1>, vector<1x128xf32>
    %mul3A_246 = arith.constant 32 : i32
    %mul3A_247 = arith.muli %arg0, %mul3A_246 : i32
    %add3A_248 = arith.constant 8 : i32
    %add3A_249 = arith.addi %mul3A_247, %add3A_248 : i32
    %get3A_250 = arith.index_cast %add3A_249 : i32 to index
    %get3A_251 = memref.load %arg1[%get3A_250] : memref<1024xi32, #tpu.memory_space<smem>>
    %jit3A_252 = arith.constant 128 : i32
    %eq3A_253 = arith.constant 0 : i32
    %eq3A_254 = arith.cmpi eq, %jit3A_252, %eq3A_253 : i32
    %jit3A_255 = arith.constant 1 : i32
    %select_n3A_256 = arith.select %eq3A_254, %jit3A_255, %jit3A_252 : i32
    %rem3A_257 = arith.remsi %get3A_251, %select_n3A_256 : i32
    %ne3A_258 = arith.constant 0 : i32
    %ne3A_259 = arith.cmpi ne, %rem3A_257, %ne3A_258 : i32
    %lt3A_260 = arith.constant 0 : i32
    %lt3A_261 = arith.cmpi slt, %rem3A_257, %lt3A_260 : i32
    %lt3A_262 = arith.constant 0 : i32
    %lt3A_263 = arith.cmpi slt, %select_n3A_256, %lt3A_262 : i32
    %ne3A_264 = arith.xori %lt3A_261, %lt3A_263 : i1
    %and3A_265 = arith.andi %ne3A_264, %ne3A_259 : i1
    %add3A_266 = arith.addi %rem3A_257, %select_n3A_256 : i32
    %select_n3A_267 = arith.select %and3A_265, %add3A_266, %rem3A_257 : i32
    %iota3A_268 = tpu.iota {dimensions = array<i32: 1>} : vector<1x128xi32>
    %eq3A_269 = vector.broadcast %select_n3A_267 : i32 to vector<1x128xi32>
    %eq3A_270 = arith.cmpi eq, %iota3A_268, %eq3A_269 : vector<1x128xi32>
    %get3A_271 = arith.constant 8 : index
    %get3A_272 = arith.constant 0 : index
    %get3A_273 = vector.load %arg11[%get3A_271, %get3A_272] : memref<32x128xf32, #tpu.memory_space<vmem>>, vector<1x128xf32>
    %jit3A_274 = arith.constant 0.000000e+00 : f32
    %broadcast_in_dim3A_275 = vector.broadcast %jit3A_274 : f32 to vector<1x128xf32>
    %select_n3A_276 = arith.select %eq3A_270, %get3A_273, %broadcast_in_dim3A_275 : vector<1x128xi1>, vector<1x128xf32>
    %mul3A_277 = arith.constant 32 : i32
    %mul3A_278 = arith.muli %arg0, %mul3A_277 : i32
    %add3A_279 = arith.constant 9 : i32
    %add3A_280 = arith.addi %mul3A_278, %add3A_279 : i32
    %get3A_281 = arith.index_cast %add3A_280 : i32 to index
    %get3A_282 = memref.load %arg1[%get3A_281] : memref<1024xi32, #tpu.memory_space<smem>>
    %jit3A_283 = arith.constant 128 : i32
    %eq3A_284 = arith.constant 0 : i32
    %eq3A_285 = arith.cmpi eq, %jit3A_283, %eq3A_284 : i32
    %jit3A_286 = arith.constant 1 : i32
    %select_n3A_287 = arith.select %eq3A_285, %jit3A_286, %jit3A_283 : i32
    %rem3A_288 = arith.remsi %get3A_282, %select_n3A_287 : i32
    %ne3A_289 = arith.constant 0 : i32
    %ne3A_290 = arith.cmpi ne, %rem3A_288, %ne3A_289 : i32
    %lt3A_291 = arith.constant 0 : i32
    %lt3A_292 = arith.cmpi slt, %rem3A_288, %lt3A_291 : i32
    %lt3A_293 = arith.constant 0 : i32
    %lt3A_294 = arith.cmpi slt, %select_n3A_287, %lt3A_293 : i32
    %ne3A_295 = arith.xori %lt3A_292, %lt3A_294 : i1
    %and3A_296 = arith.andi %ne3A_295, %ne3A_290 : i1
    %add3A_297 = arith.addi %rem3A_288, %select_n3A_287 : i32
    %select_n3A_298 = arith.select %and3A_296, %add3A_297, %rem3A_288 : i32
    %iota3A_299 = tpu.iota {dimensions = array<i32: 1>} : vector<1x128xi32>
    %eq3A_300 = vector.broadcast %select_n3A_298 : i32 to vector<1x128xi32>
    %eq3A_301 = arith.cmpi eq, %iota3A_299, %eq3A_300 : vector<1x128xi32>
    %get3A_302 = arith.constant 9 : index
    %get3A_303 = arith.constant 0 : index
    %get3A_304 = vector.load %arg12[%get3A_302, %get3A_303] : memref<32x128xf32, #tpu.memory_space<vmem>>, vector<1x128xf32>
    %jit3A_305 = arith.constant 0.000000e+00 : f32
    %broadcast_in_dim3A_306 = vector.broadcast %jit3A_305 : f32 to vector<1x128xf32>
    %select_n3A_307 = arith.select %eq3A_301, %get3A_304, %broadcast_in_dim3A_306 : vector<1x128xi1>, vector<1x128xf32>
    %mul3A_308 = arith.constant 32 : i32
    %mul3A_309 = arith.muli %arg0, %mul3A_308 : i32
    %add3A_310 = arith.constant 10 : i32
    %add3A_311 = arith.addi %mul3A_309, %add3A_310 : i32
    %get3A_312 = arith.index_cast %add3A_311 : i32 to index
    %get3A_313 = memref.load %arg1[%get3A_312] : memref<1024xi32, #tpu.memory_space<smem>>
    %jit3A_314 = arith.constant 128 : i32
    %eq3A_315 = arith.constant 0 : i32
    %eq3A_316 = arith.cmpi eq, %jit3A_314, %eq3A_315 : i32
    %jit3A_317 = arith.constant 1 : i32
    %select_n3A_318 = arith.select %eq3A_316, %jit3A_317, %jit3A_314 : i32
    %rem3A_319 = arith.remsi %get3A_313, %select_n3A_318 : i32
    %ne3A_320 = arith.constant 0 : i32
    %ne3A_321 = arith.cmpi ne, %rem3A_319, %ne3A_320 : i32
    %lt3A_322 = arith.constant 0 : i32
    %lt3A_323 = arith.cmpi slt, %rem3A_319, %lt3A_322 : i32
    %lt3A_324 = arith.constant 0 : i32
    %lt3A_325 = arith.cmpi slt, %select_n3A_318, %lt3A_324 : i32
    %ne3A_326 = arith.xori %lt3A_323, %lt3A_325 : i1
    %and3A_327 = arith.andi %ne3A_326, %ne3A_321 : i1
    %add3A_328 = arith.addi %rem3A_319, %select_n3A_318 : i32
    %select_n3A_329 = arith.select %and3A_327, %add3A_328, %rem3A_319 : i32
    %iota3A_330 = tpu.iota {dimensions = array<i32: 1>} : vector<1x128xi32>
    %eq3A_331 = vector.broadcast %select_n3A_329 : i32 to vector<1x128xi32>
    %eq3A_332 = arith.cmpi eq, %iota3A_330, %eq3A_331 : vector<1x128xi32>
    %get3A_333 = arith.constant 10 : index
    %get3A_334 = arith.constant 0 : index
    %get3A_335 = vector.load %arg13[%get3A_333, %get3A_334] : memref<32x128xf32, #tpu.memory_space<vmem>>, vector<1x128xf32>
    %jit3A_336 = arith.constant 0.000000e+00 : f32
    %broadcast_in_dim3A_337 = vector.broadcast %jit3A_336 : f32 to vector<1x128xf32>
    %select_n3A_338 = arith.select %eq3A_332, %get3A_335, %broadcast_in_dim3A_337 : vector<1x128xi1>, vector<1x128xf32>
    %mul3A_339 = arith.constant 32 : i32
    %mul3A_340 = arith.muli %arg0, %mul3A_339 : i32
    %add3A_341 = arith.constant 11 : i32
    %add3A_342 = arith.addi %mul3A_340, %add3A_341 : i32
    %get3A_343 = arith.index_cast %add3A_342 : i32 to index
    %get3A_344 = memref.load %arg1[%get3A_343] : memref<1024xi32, #tpu.memory_space<smem>>
    %jit3A_345 = arith.constant 128 : i32
    %eq3A_346 = arith.constant 0 : i32
    %eq3A_347 = arith.cmpi eq, %jit3A_345, %eq3A_346 : i32
    %jit3A_348 = arith.constant 1 : i32
    %select_n3A_349 = arith.select %eq3A_347, %jit3A_348, %jit3A_345 : i32
    %rem3A_350 = arith.remsi %get3A_344, %select_n3A_349 : i32
    %ne3A_351 = arith.constant 0 : i32
    %ne3A_352 = arith.cmpi ne, %rem3A_350, %ne3A_351 : i32
    %lt3A_353 = arith.constant 0 : i32
    %lt3A_354 = arith.cmpi slt, %rem3A_350, %lt3A_353 : i32
    %lt3A_355 = arith.constant 0 : i32
    %lt3A_356 = arith.cmpi slt, %select_n3A_349, %lt3A_355 : i32
    %ne3A_357 = arith.xori %lt3A_354, %lt3A_356 : i1
    %and3A_358 = arith.andi %ne3A_357, %ne3A_352 : i1
    %add3A_359 = arith.addi %rem3A_350, %select_n3A_349 : i32
    %select_n3A_360 = arith.select %and3A_358, %add3A_359, %rem3A_350 : i32
    %iota3A_361 = tpu.iota {dimensions = array<i32: 1>} : vector<1x128xi32>
    %eq3A_362 = vector.broadcast %select_n3A_360 : i32 to vector<1x128xi32>
    %eq3A_363 = arith.cmpi eq, %iota3A_361, %eq3A_362 : vector<1x128xi32>
    %get3A_364 = arith.constant 11 : index
    %get3A_365 = arith.constant 0 : index
    %get3A_366 = vector.load %arg14[%get3A_364, %get3A_365] : memref<32x128xf32, #tpu.memory_space<vmem>>, vector<1x128xf32>
    %jit3A_367 = arith.constant 0.000000e+00 : f32
    %broadcast_in_dim3A_368 = vector.broadcast %jit3A_367 : f32 to vector<1x128xf32>
    %select_n3A_369 = arith.select %eq3A_363, %get3A_366, %broadcast_in_dim3A_368 : vector<1x128xi1>, vector<1x128xf32>
    %mul3A_370 = arith.constant 32 : i32
    %mul3A_371 = arith.muli %arg0, %mul3A_370 : i32
    %add3A_372 = arith.constant 12 : i32
    %add3A_373 = arith.addi %mul3A_371, %add3A_372 : i32
    %get3A_374 = arith.index_cast %add3A_373 : i32 to index
    %get3A_375 = memref.load %arg1[%get3A_374] : memref<1024xi32, #tpu.memory_space<smem>>
    %jit3A_376 = arith.constant 128 : i32
    %eq3A_377 = arith.constant 0 : i32
    %eq3A_378 = arith.cmpi eq, %jit3A_376, %eq3A_377 : i32
    %jit3A_379 = arith.constant 1 : i32
    %select_n3A_380 = arith.select %eq3A_378, %jit3A_379, %jit3A_376 : i32
    %rem3A_381 = arith.remsi %get3A_375, %select_n3A_380 : i32
    %ne3A_382 = arith.constant 0 : i32
    %ne3A_383 = arith.cmpi ne, %rem3A_381, %ne3A_382 : i32
    %lt3A_384 = arith.constant 0 : i32
    %lt3A_385 = arith.cmpi slt, %rem3A_381, %lt3A_384 : i32
    %lt3A_386 = arith.constant 0 : i32
    %lt3A_387 = arith.cmpi slt, %select_n3A_380, %lt3A_386 : i32
    %ne3A_388 = arith.xori %lt3A_385, %lt3A_387 : i1
    %and3A_389 = arith.andi %ne3A_388, %ne3A_383 : i1
    %add3A_390 = arith.addi %rem3A_381, %select_n3A_380 : i32
    %select_n3A_391 = arith.select %and3A_389, %add3A_390, %rem3A_381 : i32
    %iota3A_392 = tpu.iota {dimensions = array<i32: 1>} : vector<1x128xi32>
    %eq3A_393 = vector.broadcast %select_n3A_391 : i32 to vector<1x128xi32>
    %eq3A_394 = arith.cmpi eq, %iota3A_392, %eq3A_393 : vector<1x128xi32>
    %get3A_395 = arith.constant 12 : index
    %get3A_396 = arith.constant 0 : index
    %get3A_397 = vector.load %arg15[%get3A_395, %get3A_396] : memref<32x128xf32, #tpu.memory_space<vmem>>, vector<1x128xf32>
    %jit3A_398 = arith.constant 0.000000e+00 : f32
    %broadcast_in_dim3A_399 = vector.broadcast %jit3A_398 : f32 to vector<1x128xf32>
    %select_n3A_400 = arith.select %eq3A_394, %get3A_397, %broadcast_in_dim3A_399 : vector<1x128xi1>, vector<1x128xf32>
    %mul3A_401 = arith.constant 32 : i32
    %mul3A_402 = arith.muli %arg0, %mul3A_401 : i32
    %add3A_403 = arith.constant 13 : i32
    %add3A_404 = arith.addi %mul3A_402, %add3A_403 : i32
    %get3A_405 = arith.index_cast %add3A_404 : i32 to index
    %get3A_406 = memref.load %arg1[%get3A_405] : memref<1024xi32, #tpu.memory_space<smem>>
    %jit3A_407 = arith.constant 128 : i32
    %eq3A_408 = arith.constant 0 : i32
    %eq3A_409 = arith.cmpi eq, %jit3A_407, %eq3A_408 : i32
    %jit3A_410 = arith.constant 1 : i32
    %select_n3A_411 = arith.select %eq3A_409, %jit3A_410, %jit3A_407 : i32
    %rem3A_412 = arith.remsi %get3A_406, %select_n3A_411 : i32
    %ne3A_413 = arith.constant 0 : i32
    %ne3A_414 = arith.cmpi ne, %rem3A_412, %ne3A_413 : i32
    %lt3A_415 = arith.constant 0 : i32
    %lt3A_416 = arith.cmpi slt, %rem3A_412, %lt3A_415 : i32
    %lt3A_417 = arith.constant 0 : i32
    %lt3A_418 = arith.cmpi slt, %select_n3A_411, %lt3A_417 : i32
    %ne3A_419 = arith.xori %lt3A_416, %lt3A_418 : i1
    %and3A_420 = arith.andi %ne3A_419, %ne3A_414 : i1
    %add3A_421 = arith.addi %rem3A_412, %select_n3A_411 : i32
    %select_n3A_422 = arith.select %and3A_420, %add3A_421, %rem3A_412 : i32
    %iota3A_423 = tpu.iota {dimensions = array<i32: 1>} : vector<1x128xi32>
    %eq3A_424 = vector.broadcast %select_n3A_422 : i32 to vector<1x128xi32>
    %eq3A_425 = arith.cmpi eq, %iota3A_423, %eq3A_424 : vector<1x128xi32>
    %get3A_426 = arith.constant 13 : index
    %get3A_427 = arith.constant 0 : index
    %get3A_428 = vector.load %arg16[%get3A_426, %get3A_427] : memref<32x128xf32, #tpu.memory_space<vmem>>, vector<1x128xf32>
    %jit3A_429 = arith.constant 0.000000e+00 : f32
    %broadcast_in_dim3A_430 = vector.broadcast %jit3A_429 : f32 to vector<1x128xf32>
    %select_n3A_431 = arith.select %eq3A_425, %get3A_428, %broadcast_in_dim3A_430 : vector<1x128xi1>, vector<1x128xf32>
    %mul3A_432 = arith.constant 32 : i32
    %mul3A_433 = arith.muli %arg0, %mul3A_432 : i32
    %add3A_434 = arith.constant 14 : i32
    %add3A_435 = arith.addi %mul3A_433, %add3A_434 : i32
    %get3A_436 = arith.index_cast %add3A_435 : i32 to index
    %get3A_437 = memref.load %arg1[%get3A_436] : memref<1024xi32, #tpu.memory_space<smem>>
    %jit3A_438 = arith.constant 128 : i32
    %eq3A_439 = arith.constant 0 : i32
    %eq3A_440 = arith.cmpi eq, %jit3A_438, %eq3A_439 : i32
    %jit3A_441 = arith.constant 1 : i32
    %select_n3A_442 = arith.select %eq3A_440, %jit3A_441, %jit3A_438 : i32
    %rem3A_443 = arith.remsi %get3A_437, %select_n3A_442 : i32
    %ne3A_444 = arith.constant 0 : i32
    %ne3A_445 = arith.cmpi ne, %rem3A_443, %ne3A_444 : i32
    %lt3A_446 = arith.constant 0 : i32
    %lt3A_447 = arith.cmpi slt, %rem3A_443, %lt3A_446 : i32
    %lt3A_448 = arith.constant 0 : i32
    %lt3A_449 = arith.cmpi slt, %select_n3A_442, %lt3A_448 : i32
    %ne3A_450 = arith.xori %lt3A_447, %lt3A_449 : i1
    %and3A_451 = arith.andi %ne3A_450, %ne3A_445 : i1
    %add3A_452 = arith.addi %rem3A_443, %select_n3A_442 : i32
    %select_n3A_453 = arith.select %and3A_451, %add3A_452, %rem3A_443 : i32
    %iota3A_454 = tpu.iota {dimensions = array<i32: 1>} : vector<1x128xi32>
    %eq3A_455 = vector.broadcast %select_n3A_453 : i32 to vector<1x128xi32>
    %eq3A_456 = arith.cmpi eq, %iota3A_454, %eq3A_455 : vector<1x128xi32>
    %get3A_457 = arith.constant 14 : index
    %get3A_458 = arith.constant 0 : index
    %get3A_459 = vector.load %arg17[%get3A_457, %get3A_458] : memref<32x128xf32, #tpu.memory_space<vmem>>, vector<1x128xf32>
    %jit3A_460 = arith.constant 0.000000e+00 : f32
    %broadcast_in_dim3A_461 = vector.broadcast %jit3A_460 : f32 to vector<1x128xf32>
    %select_n3A_462 = arith.select %eq3A_456, %get3A_459, %broadcast_in_dim3A_461 : vector<1x128xi1>, vector<1x128xf32>
    %mul3A_463 = arith.constant 32 : i32
    %mul3A_464 = arith.muli %arg0, %mul3A_463 : i32
    %add3A_465 = arith.constant 15 : i32
    %add3A_466 = arith.addi %mul3A_464, %add3A_465 : i32
    %get3A_467 = arith.index_cast %add3A_466 : i32 to index
    %get3A_468 = memref.load %arg1[%get3A_467] : memref<1024xi32, #tpu.memory_space<smem>>
    %jit3A_469 = arith.constant 128 : i32
    %eq3A_470 = arith.constant 0 : i32
    %eq3A_471 = arith.cmpi eq, %jit3A_469, %eq3A_470 : i32
    %jit3A_472 = arith.constant 1 : i32
    %select_n3A_473 = arith.select %eq3A_471, %jit3A_472, %jit3A_469 : i32
    %rem3A_474 = arith.remsi %get3A_468, %select_n3A_473 : i32
    %ne3A_475 = arith.constant 0 : i32
    %ne3A_476 = arith.cmpi ne, %rem3A_474, %ne3A_475 : i32
    %lt3A_477 = arith.constant 0 : i32
    %lt3A_478 = arith.cmpi slt, %rem3A_474, %lt3A_477 : i32
    %lt3A_479 = arith.constant 0 : i32
    %lt3A_480 = arith.cmpi slt, %select_n3A_473, %lt3A_479 : i32
    %ne3A_481 = arith.xori %lt3A_478, %lt3A_480 : i1
    %and3A_482 = arith.andi %ne3A_481, %ne3A_476 : i1
    %add3A_483 = arith.addi %rem3A_474, %select_n3A_473 : i32
    %select_n3A_484 = arith.select %and3A_482, %add3A_483, %rem3A_474 : i32
    %iota3A_485 = tpu.iota {dimensions = array<i32: 1>} : vector<1x128xi32>
    %eq3A_486 = vector.broadcast %select_n3A_484 : i32 to vector<1x128xi32>
    %eq3A_487 = arith.cmpi eq, %iota3A_485, %eq3A_486 : vector<1x128xi32>
    %get3A_488 = arith.constant 15 : index
    %get3A_489 = arith.constant 0 : index
    %get3A_490 = vector.load %arg18[%get3A_488, %get3A_489] : memref<32x128xf32, #tpu.memory_space<vmem>>, vector<1x128xf32>
    %jit3A_491 = arith.constant 0.000000e+00 : f32
    %broadcast_in_dim3A_492 = vector.broadcast %jit3A_491 : f32 to vector<1x128xf32>
    %select_n3A_493 = arith.select %eq3A_487, %get3A_490, %broadcast_in_dim3A_492 : vector<1x128xi1>, vector<1x128xf32>
    %mul3A_494 = arith.constant 32 : i32
    %mul3A_495 = arith.muli %arg0, %mul3A_494 : i32
    %add3A_496 = arith.constant 16 : i32
    %add3A_497 = arith.addi %mul3A_495, %add3A_496 : i32
    %get3A_498 = arith.index_cast %add3A_497 : i32 to index
    %get3A_499 = memref.load %arg1[%get3A_498] : memref<1024xi32, #tpu.memory_space<smem>>
    %jit3A_500 = arith.constant 128 : i32
    %eq3A_501 = arith.constant 0 : i32
    %eq3A_502 = arith.cmpi eq, %jit3A_500, %eq3A_501 : i32
    %jit3A_503 = arith.constant 1 : i32
    %select_n3A_504 = arith.select %eq3A_502, %jit3A_503, %jit3A_500 : i32
    %rem3A_505 = arith.remsi %get3A_499, %select_n3A_504 : i32
    %ne3A_506 = arith.constant 0 : i32
    %ne3A_507 = arith.cmpi ne, %rem3A_505, %ne3A_506 : i32
    %lt3A_508 = arith.constant 0 : i32
    %lt3A_509 = arith.cmpi slt, %rem3A_505, %lt3A_508 : i32
    %lt3A_510 = arith.constant 0 : i32
    %lt3A_511 = arith.cmpi slt, %select_n3A_504, %lt3A_510 : i32
    %ne3A_512 = arith.xori %lt3A_509, %lt3A_511 : i1
    %and3A_513 = arith.andi %ne3A_512, %ne3A_507 : i1
    %add3A_514 = arith.addi %rem3A_505, %select_n3A_504 : i32
    %select_n3A_515 = arith.select %and3A_513, %add3A_514, %rem3A_505 : i32
    %iota3A_516 = tpu.iota {dimensions = array<i32: 1>} : vector<1x128xi32>
    %eq3A_517 = vector.broadcast %select_n3A_515 : i32 to vector<1x128xi32>
    %eq3A_518 = arith.cmpi eq, %iota3A_516, %eq3A_517 : vector<1x128xi32>
    %get3A_519 = arith.constant 16 : index
    %get3A_520 = arith.constant 0 : index
    %get3A_521 = vector.load %arg19[%get3A_519, %get3A_520] : memref<32x128xf32, #tpu.memory_space<vmem>>, vector<1x128xf32>
    %jit3A_522 = arith.constant 0.000000e+00 : f32
    %broadcast_in_dim3A_523 = vector.broadcast %jit3A_522 : f32 to vector<1x128xf32>
    %select_n3A_524 = arith.select %eq3A_518, %get3A_521, %broadcast_in_dim3A_523 : vector<1x128xi1>, vector<1x128xf32>
    %mul3A_525 = arith.constant 32 : i32
    %mul3A_526 = arith.muli %arg0, %mul3A_525 : i32
    %add3A_527 = arith.constant 17 : i32
    %add3A_528 = arith.addi %mul3A_526, %add3A_527 : i32
    %get3A_529 = arith.index_cast %add3A_528 : i32 to index
    %get3A_530 = memref.load %arg1[%get3A_529] : memref<1024xi32, #tpu.memory_space<smem>>
    %jit3A_531 = arith.constant 128 : i32
    %eq3A_532 = arith.constant 0 : i32
    %eq3A_533 = arith.cmpi eq, %jit3A_531, %eq3A_532 : i32
    %jit3A_534 = arith.constant 1 : i32
    %select_n3A_535 = arith.select %eq3A_533, %jit3A_534, %jit3A_531 : i32
    %rem3A_536 = arith.remsi %get3A_530, %select_n3A_535 : i32
    %ne3A_537 = arith.constant 0 : i32
    %ne3A_538 = arith.cmpi ne, %rem3A_536, %ne3A_537 : i32
    %lt3A_539 = arith.constant 0 : i32
    %lt3A_540 = arith.cmpi slt, %rem3A_536, %lt3A_539 : i32
    %lt3A_541 = arith.constant 0 : i32
    %lt3A_542 = arith.cmpi slt, %select_n3A_535, %lt3A_541 : i32
    %ne3A_543 = arith.xori %lt3A_540, %lt3A_542 : i1
    %and3A_544 = arith.andi %ne3A_543, %ne3A_538 : i1
    %add3A_545 = arith.addi %rem3A_536, %select_n3A_535 : i32
    %select_n3A_546 = arith.select %and3A_544, %add3A_545, %rem3A_536 : i32
    %iota3A_547 = tpu.iota {dimensions = array<i32: 1>} : vector<1x128xi32>
    %eq3A_548 = vector.broadcast %select_n3A_546 : i32 to vector<1x128xi32>
    %eq3A_549 = arith.cmpi eq, %iota3A_547, %eq3A_548 : vector<1x128xi32>
    %get3A_550 = arith.constant 17 : index
    %get3A_551 = arith.constant 0 : index
    %get3A_552 = vector.load %arg20[%get3A_550, %get3A_551] : memref<32x128xf32, #tpu.memory_space<vmem>>, vector<1x128xf32>
    %jit3A_553 = arith.constant 0.000000e+00 : f32
    %broadcast_in_dim3A_554 = vector.broadcast %jit3A_553 : f32 to vector<1x128xf32>
    %select_n3A_555 = arith.select %eq3A_549, %get3A_552, %broadcast_in_dim3A_554 : vector<1x128xi1>, vector<1x128xf32>
    %mul3A_556 = arith.constant 32 : i32
    %mul3A_557 = arith.muli %arg0, %mul3A_556 : i32
    %add3A_558 = arith.constant 18 : i32
    %add3A_559 = arith.addi %mul3A_557, %add3A_558 : i32
    %get3A_560 = arith.index_cast %add3A_559 : i32 to index
    %get3A_561 = memref.load %arg1[%get3A_560] : memref<1024xi32, #tpu.memory_space<smem>>
    %jit3A_562 = arith.constant 128 : i32
    %eq3A_563 = arith.constant 0 : i32
    %eq3A_564 = arith.cmpi eq, %jit3A_562, %eq3A_563 : i32
    %jit3A_565 = arith.constant 1 : i32
    %select_n3A_566 = arith.select %eq3A_564, %jit3A_565, %jit3A_562 : i32
    %rem3A_567 = arith.remsi %get3A_561, %select_n3A_566 : i32
    %ne3A_568 = arith.constant 0 : i32
    %ne3A_569 = arith.cmpi ne, %rem3A_567, %ne3A_568 : i32
    %lt3A_570 = arith.constant 0 : i32
    %lt3A_571 = arith.cmpi slt, %rem3A_567, %lt3A_570 : i32
    %lt3A_572 = arith.constant 0 : i32
    %lt3A_573 = arith.cmpi slt, %select_n3A_566, %lt3A_572 : i32
    %ne3A_574 = arith.xori %lt3A_571, %lt3A_573 : i1
    %and3A_575 = arith.andi %ne3A_574, %ne3A_569 : i1
    %add3A_576 = arith.addi %rem3A_567, %select_n3A_566 : i32
    %select_n3A_577 = arith.select %and3A_575, %add3A_576, %rem3A_567 : i32
    %iota3A_578 = tpu.iota {dimensions = array<i32: 1>} : vector<1x128xi32>
    %eq3A_579 = vector.broadcast %select_n3A_577 : i32 to vector<1x128xi32>
    %eq3A_580 = arith.cmpi eq, %iota3A_578, %eq3A_579 : vector<1x128xi32>
    %get3A_581 = arith.constant 18 : index
    %get3A_582 = arith.constant 0 : index
    %get3A_583 = vector.load %arg21[%get3A_581, %get3A_582] : memref<32x128xf32, #tpu.memory_space<vmem>>, vector<1x128xf32>
    %jit3A_584 = arith.constant 0.000000e+00 : f32
    %broadcast_in_dim3A_585 = vector.broadcast %jit3A_584 : f32 to vector<1x128xf32>
    %select_n3A_586 = arith.select %eq3A_580, %get3A_583, %broadcast_in_dim3A_585 : vector<1x128xi1>, vector<1x128xf32>
    %mul3A_587 = arith.constant 32 : i32
    %mul3A_588 = arith.muli %arg0, %mul3A_587 : i32
    %add3A_589 = arith.constant 19 : i32
    %add3A_590 = arith.addi %mul3A_588, %add3A_589 : i32
    %get3A_591 = arith.index_cast %add3A_590 : i32 to index
    %get3A_592 = memref.load %arg1[%get3A_591] : memref<1024xi32, #tpu.memory_space<smem>>
    %jit3A_593 = arith.constant 128 : i32
    %eq3A_594 = arith.constant 0 : i32
    %eq3A_595 = arith.cmpi eq, %jit3A_593, %eq3A_594 : i32
    %jit3A_596 = arith.constant 1 : i32
    %select_n3A_597 = arith.select %eq3A_595, %jit3A_596, %jit3A_593 : i32
    %rem3A_598 = arith.remsi %get3A_592, %select_n3A_597 : i32
    %ne3A_599 = arith.constant 0 : i32
    %ne3A_600 = arith.cmpi ne, %rem3A_598, %ne3A_599 : i32
    %lt3A_601 = arith.constant 0 : i32
    %lt3A_602 = arith.cmpi slt, %rem3A_598, %lt3A_601 : i32
    %lt3A_603 = arith.constant 0 : i32
    %lt3A_604 = arith.cmpi slt, %select_n3A_597, %lt3A_603 : i32
    %ne3A_605 = arith.xori %lt3A_602, %lt3A_604 : i1
    %and3A_606 = arith.andi %ne3A_605, %ne3A_600 : i1
    %add3A_607 = arith.addi %rem3A_598, %select_n3A_597 : i32
    %select_n3A_608 = arith.select %and3A_606, %add3A_607, %rem3A_598 : i32
    %iota3A_609 = tpu.iota {dimensions = array<i32: 1>} : vector<1x128xi32>
    %eq3A_610 = vector.broadcast %select_n3A_608 : i32 to vector<1x128xi32>
    %eq3A_611 = arith.cmpi eq, %iota3A_609, %eq3A_610 : vector<1x128xi32>
    %get3A_612 = arith.constant 19 : index
    %get3A_613 = arith.constant 0 : index
    %get3A_614 = vector.load %arg22[%get3A_612, %get3A_613] : memref<32x128xf32, #tpu.memory_space<vmem>>, vector<1x128xf32>
    %jit3A_615 = arith.constant 0.000000e+00 : f32
    %broadcast_in_dim3A_616 = vector.broadcast %jit3A_615 : f32 to vector<1x128xf32>
    %select_n3A_617 = arith.select %eq3A_611, %get3A_614, %broadcast_in_dim3A_616 : vector<1x128xi1>, vector<1x128xf32>
    %mul3A_618 = arith.constant 32 : i32
    %mul3A_619 = arith.muli %arg0, %mul3A_618 : i32
    %add3A_620 = arith.constant 20 : i32
    %add3A_621 = arith.addi %mul3A_619, %add3A_620 : i32
    %get3A_622 = arith.index_cast %add3A_621 : i32 to index
    %get3A_623 = memref.load %arg1[%get3A_622] : memref<1024xi32, #tpu.memory_space<smem>>
    %jit3A_624 = arith.constant 128 : i32
    %eq3A_625 = arith.constant 0 : i32
    %eq3A_626 = arith.cmpi eq, %jit3A_624, %eq3A_625 : i32
    %jit3A_627 = arith.constant 1 : i32
    %select_n3A_628 = arith.select %eq3A_626, %jit3A_627, %jit3A_624 : i32
    %rem3A_629 = arith.remsi %get3A_623, %select_n3A_628 : i32
    %ne3A_630 = arith.constant 0 : i32
    %ne3A_631 = arith.cmpi ne, %rem3A_629, %ne3A_630 : i32
    %lt3A_632 = arith.constant 0 : i32
    %lt3A_633 = arith.cmpi slt, %rem3A_629, %lt3A_632 : i32
    %lt3A_634 = arith.constant 0 : i32
    %lt3A_635 = arith.cmpi slt, %select_n3A_628, %lt3A_634 : i32
    %ne3A_636 = arith.xori %lt3A_633, %lt3A_635 : i1
    %and3A_637 = arith.andi %ne3A_636, %ne3A_631 : i1
    %add3A_638 = arith.addi %rem3A_629, %select_n3A_628 : i32
    %select_n3A_639 = arith.select %and3A_637, %add3A_638, %rem3A_629 : i32
    %iota3A_640 = tpu.iota {dimensions = array<i32: 1>} : vector<1x128xi32>
    %eq3A_641 = vector.broadcast %select_n3A_639 : i32 to vector<1x128xi32>
    %eq3A_642 = arith.cmpi eq, %iota3A_640, %eq3A_641 : vector<1x128xi32>
    %get3A_643 = arith.constant 20 : index
    %get3A_644 = arith.constant 0 : index
    %get3A_645 = vector.load %arg23[%get3A_643, %get3A_644] : memref<32x128xf32, #tpu.memory_space<vmem>>, vector<1x128xf32>
    %jit3A_646 = arith.constant 0.000000e+00 : f32
    %broadcast_in_dim3A_647 = vector.broadcast %jit3A_646 : f32 to vector<1x128xf32>
    %select_n3A_648 = arith.select %eq3A_642, %get3A_645, %broadcast_in_dim3A_647 : vector<1x128xi1>, vector<1x128xf32>
    %mul3A_649 = arith.constant 32 : i32
    %mul3A_650 = arith.muli %arg0, %mul3A_649 : i32
    %add3A_651 = arith.constant 21 : i32
    %add3A_652 = arith.addi %mul3A_650, %add3A_651 : i32
    %get3A_653 = arith.index_cast %add3A_652 : i32 to index
    %get3A_654 = memref.load %arg1[%get3A_653] : memref<1024xi32, #tpu.memory_space<smem>>
    %jit3A_655 = arith.constant 128 : i32
    %eq3A_656 = arith.constant 0 : i32
    %eq3A_657 = arith.cmpi eq, %jit3A_655, %eq3A_656 : i32
    %jit3A_658 = arith.constant 1 : i32
    %select_n3A_659 = arith.select %eq3A_657, %jit3A_658, %jit3A_655 : i32
    %rem3A_660 = arith.remsi %get3A_654, %select_n3A_659 : i32
    %ne3A_661 = arith.constant 0 : i32
    %ne3A_662 = arith.cmpi ne, %rem3A_660, %ne3A_661 : i32
    %lt3A_663 = arith.constant 0 : i32
    %lt3A_664 = arith.cmpi slt, %rem3A_660, %lt3A_663 : i32
    %lt3A_665 = arith.constant 0 : i32
    %lt3A_666 = arith.cmpi slt, %select_n3A_659, %lt3A_665 : i32
    %ne3A_667 = arith.xori %lt3A_664, %lt3A_666 : i1
    %and3A_668 = arith.andi %ne3A_667, %ne3A_662 : i1
    %add3A_669 = arith.addi %rem3A_660, %select_n3A_659 : i32
    %select_n3A_670 = arith.select %and3A_668, %add3A_669, %rem3A_660 : i32
    %iota3A_671 = tpu.iota {dimensions = array<i32: 1>} : vector<1x128xi32>
    %eq3A_672 = vector.broadcast %select_n3A_670 : i32 to vector<1x128xi32>
    %eq3A_673 = arith.cmpi eq, %iota3A_671, %eq3A_672 : vector<1x128xi32>
    %get3A_674 = arith.constant 21 : index
    %get3A_675 = arith.constant 0 : index
    %get3A_676 = vector.load %arg24[%get3A_674, %get3A_675] : memref<32x128xf32, #tpu.memory_space<vmem>>, vector<1x128xf32>
    %jit3A_677 = arith.constant 0.000000e+00 : f32
    %broadcast_in_dim3A_678 = vector.broadcast %jit3A_677 : f32 to vector<1x128xf32>
    %select_n3A_679 = arith.select %eq3A_673, %get3A_676, %broadcast_in_dim3A_678 : vector<1x128xi1>, vector<1x128xf32>
    %mul3A_680 = arith.constant 32 : i32
    %mul3A_681 = arith.muli %arg0, %mul3A_680 : i32
    %add3A_682 = arith.constant 22 : i32
    %add3A_683 = arith.addi %mul3A_681, %add3A_682 : i32
    %get3A_684 = arith.index_cast %add3A_683 : i32 to index
    %get3A_685 = memref.load %arg1[%get3A_684] : memref<1024xi32, #tpu.memory_space<smem>>
    %jit3A_686 = arith.constant 128 : i32
    %eq3A_687 = arith.constant 0 : i32
    %eq3A_688 = arith.cmpi eq, %jit3A_686, %eq3A_687 : i32
    %jit3A_689 = arith.constant 1 : i32
    %select_n3A_690 = arith.select %eq3A_688, %jit3A_689, %jit3A_686 : i32
    %rem3A_691 = arith.remsi %get3A_685, %select_n3A_690 : i32
    %ne3A_692 = arith.constant 0 : i32
    %ne3A_693 = arith.cmpi ne, %rem3A_691, %ne3A_692 : i32
    %lt3A_694 = arith.constant 0 : i32
    %lt3A_695 = arith.cmpi slt, %rem3A_691, %lt3A_694 : i32
    %lt3A_696 = arith.constant 0 : i32
    %lt3A_697 = arith.cmpi slt, %select_n3A_690, %lt3A_696 : i32
    %ne3A_698 = arith.xori %lt3A_695, %lt3A_697 : i1
    %and3A_699 = arith.andi %ne3A_698, %ne3A_693 : i1
    %add3A_700 = arith.addi %rem3A_691, %select_n3A_690 : i32
    %select_n3A_701 = arith.select %and3A_699, %add3A_700, %rem3A_691 : i32
    %iota3A_702 = tpu.iota {dimensions = array<i32: 1>} : vector<1x128xi32>
    %eq3A_703 = vector.broadcast %select_n3A_701 : i32 to vector<1x128xi32>
    %eq3A_704 = arith.cmpi eq, %iota3A_702, %eq3A_703 : vector<1x128xi32>
    %get3A_705 = arith.constant 22 : index
    %get3A_706 = arith.constant 0 : index
    %get3A_707 = vector.load %arg25[%get3A_705, %get3A_706] : memref<32x128xf32, #tpu.memory_space<vmem>>, vector<1x128xf32>
    %jit3A_708 = arith.constant 0.000000e+00 : f32
    %broadcast_in_dim3A_709 = vector.broadcast %jit3A_708 : f32 to vector<1x128xf32>
    %select_n3A_710 = arith.select %eq3A_704, %get3A_707, %broadcast_in_dim3A_709 : vector<1x128xi1>, vector<1x128xf32>
    %mul3A_711 = arith.constant 32 : i32
    %mul3A_712 = arith.muli %arg0, %mul3A_711 : i32
    %add3A_713 = arith.constant 23 : i32
    %add3A_714 = arith.addi %mul3A_712, %add3A_713 : i32
    %get3A_715 = arith.index_cast %add3A_714 : i32 to index
    %get3A_716 = memref.load %arg1[%get3A_715] : memref<1024xi32, #tpu.memory_space<smem>>
    %jit3A_717 = arith.constant 128 : i32
    %eq3A_718 = arith.constant 0 : i32
    %eq3A_719 = arith.cmpi eq, %jit3A_717, %eq3A_718 : i32
    %jit3A_720 = arith.constant 1 : i32
    %select_n3A_721 = arith.select %eq3A_719, %jit3A_720, %jit3A_717 : i32
    %rem3A_722 = arith.remsi %get3A_716, %select_n3A_721 : i32
    %ne3A_723 = arith.constant 0 : i32
    %ne3A_724 = arith.cmpi ne, %rem3A_722, %ne3A_723 : i32
    %lt3A_725 = arith.constant 0 : i32
    %lt3A_726 = arith.cmpi slt, %rem3A_722, %lt3A_725 : i32
    %lt3A_727 = arith.constant 0 : i32
    %lt3A_728 = arith.cmpi slt, %select_n3A_721, %lt3A_727 : i32
    %ne3A_729 = arith.xori %lt3A_726, %lt3A_728 : i1
    %and3A_730 = arith.andi %ne3A_729, %ne3A_724 : i1
    %add3A_731 = arith.addi %rem3A_722, %select_n3A_721 : i32
    %select_n3A_732 = arith.select %and3A_730, %add3A_731, %rem3A_722 : i32
    %iota3A_733 = tpu.iota {dimensions = array<i32: 1>} : vector<1x128xi32>
    %eq3A_734 = vector.broadcast %select_n3A_732 : i32 to vector<1x128xi32>
    %eq3A_735 = arith.cmpi eq, %iota3A_733, %eq3A_734 : vector<1x128xi32>
    %get3A_736 = arith.constant 23 : index
    %get3A_737 = arith.constant 0 : index
    %get3A_738 = vector.load %arg26[%get3A_736, %get3A_737] : memref<32x128xf32, #tpu.memory_space<vmem>>, vector<1x128xf32>
    %jit3A_739 = arith.constant 0.000000e+00 : f32
    %broadcast_in_dim3A_740 = vector.broadcast %jit3A_739 : f32 to vector<1x128xf32>
    %select_n3A_741 = arith.select %eq3A_735, %get3A_738, %broadcast_in_dim3A_740 : vector<1x128xi1>, vector<1x128xf32>
    %mul3A_742 = arith.constant 32 : i32
    %mul3A_743 = arith.muli %arg0, %mul3A_742 : i32
    %add3A_744 = arith.constant 24 : i32
    %add3A_745 = arith.addi %mul3A_743, %add3A_744 : i32
    %get3A_746 = arith.index_cast %add3A_745 : i32 to index
    %get3A_747 = memref.load %arg1[%get3A_746] : memref<1024xi32, #tpu.memory_space<smem>>
    %jit3A_748 = arith.constant 128 : i32
    %eq3A_749 = arith.constant 0 : i32
    %eq3A_750 = arith.cmpi eq, %jit3A_748, %eq3A_749 : i32
    %jit3A_751 = arith.constant 1 : i32
    %select_n3A_752 = arith.select %eq3A_750, %jit3A_751, %jit3A_748 : i32
    %rem3A_753 = arith.remsi %get3A_747, %select_n3A_752 : i32
    %ne3A_754 = arith.constant 0 : i32
    %ne3A_755 = arith.cmpi ne, %rem3A_753, %ne3A_754 : i32
    %lt3A_756 = arith.constant 0 : i32
    %lt3A_757 = arith.cmpi slt, %rem3A_753, %lt3A_756 : i32
    %lt3A_758 = arith.constant 0 : i32
    %lt3A_759 = arith.cmpi slt, %select_n3A_752, %lt3A_758 : i32
    %ne3A_760 = arith.xori %lt3A_757, %lt3A_759 : i1
    %and3A_761 = arith.andi %ne3A_760, %ne3A_755 : i1
    %add3A_762 = arith.addi %rem3A_753, %select_n3A_752 : i32
    %select_n3A_763 = arith.select %and3A_761, %add3A_762, %rem3A_753 : i32
    %iota3A_764 = tpu.iota {dimensions = array<i32: 1>} : vector<1x128xi32>
    %eq3A_765 = vector.broadcast %select_n3A_763 : i32 to vector<1x128xi32>
    %eq3A_766 = arith.cmpi eq, %iota3A_764, %eq3A_765 : vector<1x128xi32>
    %get3A_767 = arith.constant 24 : index
    %get3A_768 = arith.constant 0 : index
    %get3A_769 = vector.load %arg27[%get3A_767, %get3A_768] : memref<32x128xf32, #tpu.memory_space<vmem>>, vector<1x128xf32>
    %jit3A_770 = arith.constant 0.000000e+00 : f32
    %broadcast_in_dim3A_771 = vector.broadcast %jit3A_770 : f32 to vector<1x128xf32>
    %select_n3A_772 = arith.select %eq3A_766, %get3A_769, %broadcast_in_dim3A_771 : vector<1x128xi1>, vector<1x128xf32>
    %mul3A_773 = arith.constant 32 : i32
    %mul3A_774 = arith.muli %arg0, %mul3A_773 : i32
    %add3A_775 = arith.constant 25 : i32
    %add3A_776 = arith.addi %mul3A_774, %add3A_775 : i32
    %get3A_777 = arith.index_cast %add3A_776 : i32 to index
    %get3A_778 = memref.load %arg1[%get3A_777] : memref<1024xi32, #tpu.memory_space<smem>>
    %jit3A_779 = arith.constant 128 : i32
    %eq3A_780 = arith.constant 0 : i32
    %eq3A_781 = arith.cmpi eq, %jit3A_779, %eq3A_780 : i32
    %jit3A_782 = arith.constant 1 : i32
    %select_n3A_783 = arith.select %eq3A_781, %jit3A_782, %jit3A_779 : i32
    %rem3A_784 = arith.remsi %get3A_778, %select_n3A_783 : i32
    %ne3A_785 = arith.constant 0 : i32
    %ne3A_786 = arith.cmpi ne, %rem3A_784, %ne3A_785 : i32
    %lt3A_787 = arith.constant 0 : i32
    %lt3A_788 = arith.cmpi slt, %rem3A_784, %lt3A_787 : i32
    %lt3A_789 = arith.constant 0 : i32
    %lt3A_790 = arith.cmpi slt, %select_n3A_783, %lt3A_789 : i32
    %ne3A_791 = arith.xori %lt3A_788, %lt3A_790 : i1
    %and3A_792 = arith.andi %ne3A_791, %ne3A_786 : i1
    %add3A_793 = arith.addi %rem3A_784, %select_n3A_783 : i32
    %select_n3A_794 = arith.select %and3A_792, %add3A_793, %rem3A_784 : i32
    %iota3A_795 = tpu.iota {dimensions = array<i32: 1>} : vector<1x128xi32>
    %eq3A_796 = vector.broadcast %select_n3A_794 : i32 to vector<1x128xi32>
    %eq3A_797 = arith.cmpi eq, %iota3A_795, %eq3A_796 : vector<1x128xi32>
    %get3A_798 = arith.constant 25 : index
    %get3A_799 = arith.constant 0 : index
    %get3A_800 = vector.load %arg28[%get3A_798, %get3A_799] : memref<32x128xf32, #tpu.memory_space<vmem>>, vector<1x128xf32>
    %jit3A_801 = arith.constant 0.000000e+00 : f32
    %broadcast_in_dim3A_802 = vector.broadcast %jit3A_801 : f32 to vector<1x128xf32>
    %select_n3A_803 = arith.select %eq3A_797, %get3A_800, %broadcast_in_dim3A_802 : vector<1x128xi1>, vector<1x128xf32>
    %mul3A_804 = arith.constant 32 : i32
    %mul3A_805 = arith.muli %arg0, %mul3A_804 : i32
    %add3A_806 = arith.constant 26 : i32
    %add3A_807 = arith.addi %mul3A_805, %add3A_806 : i32
    %get3A_808 = arith.index_cast %add3A_807 : i32 to index
    %get3A_809 = memref.load %arg1[%get3A_808] : memref<1024xi32, #tpu.memory_space<smem>>
    %jit3A_810 = arith.constant 128 : i32
    %eq3A_811 = arith.constant 0 : i32
    %eq3A_812 = arith.cmpi eq, %jit3A_810, %eq3A_811 : i32
    %jit3A_813 = arith.constant 1 : i32
    %select_n3A_814 = arith.select %eq3A_812, %jit3A_813, %jit3A_810 : i32
    %rem3A_815 = arith.remsi %get3A_809, %select_n3A_814 : i32
    %ne3A_816 = arith.constant 0 : i32
    %ne3A_817 = arith.cmpi ne, %rem3A_815, %ne3A_816 : i32
    %lt3A_818 = arith.constant 0 : i32
    %lt3A_819 = arith.cmpi slt, %rem3A_815, %lt3A_818 : i32
    %lt3A_820 = arith.constant 0 : i32
    %lt3A_821 = arith.cmpi slt, %select_n3A_814, %lt3A_820 : i32
    %ne3A_822 = arith.xori %lt3A_819, %lt3A_821 : i1
    %and3A_823 = arith.andi %ne3A_822, %ne3A_817 : i1
    %add3A_824 = arith.addi %rem3A_815, %select_n3A_814 : i32
    %select_n3A_825 = arith.select %and3A_823, %add3A_824, %rem3A_815 : i32
    %iota3A_826 = tpu.iota {dimensions = array<i32: 1>} : vector<1x128xi32>
    %eq3A_827 = vector.broadcast %select_n3A_825 : i32 to vector<1x128xi32>
    %eq3A_828 = arith.cmpi eq, %iota3A_826, %eq3A_827 : vector<1x128xi32>
    %get3A_829 = arith.constant 26 : index
    %get3A_830 = arith.constant 0 : index
    %get3A_831 = vector.load %arg29[%get3A_829, %get3A_830] : memref<32x128xf32, #tpu.memory_space<vmem>>, vector<1x128xf32>
    %jit3A_832 = arith.constant 0.000000e+00 : f32
    %broadcast_in_dim3A_833 = vector.broadcast %jit3A_832 : f32 to vector<1x128xf32>
    %select_n3A_834 = arith.select %eq3A_828, %get3A_831, %broadcast_in_dim3A_833 : vector<1x128xi1>, vector<1x128xf32>
    %mul3A_835 = arith.constant 32 : i32
    %mul3A_836 = arith.muli %arg0, %mul3A_835 : i32
    %add3A_837 = arith.constant 27 : i32
    %add3A_838 = arith.addi %mul3A_836, %add3A_837 : i32
    %get3A_839 = arith.index_cast %add3A_838 : i32 to index
    %get3A_840 = memref.load %arg1[%get3A_839] : memref<1024xi32, #tpu.memory_space<smem>>
    %jit3A_841 = arith.constant 128 : i32
    %eq3A_842 = arith.constant 0 : i32
    %eq3A_843 = arith.cmpi eq, %jit3A_841, %eq3A_842 : i32
    %jit3A_844 = arith.constant 1 : i32
    %select_n3A_845 = arith.select %eq3A_843, %jit3A_844, %jit3A_841 : i32
    %rem3A_846 = arith.remsi %get3A_840, %select_n3A_845 : i32
    %ne3A_847 = arith.constant 0 : i32
    %ne3A_848 = arith.cmpi ne, %rem3A_846, %ne3A_847 : i32
    %lt3A_849 = arith.constant 0 : i32
    %lt3A_850 = arith.cmpi slt, %rem3A_846, %lt3A_849 : i32
    %lt3A_851 = arith.constant 0 : i32
    %lt3A_852 = arith.cmpi slt, %select_n3A_845, %lt3A_851 : i32
    %ne3A_853 = arith.xori %lt3A_850, %lt3A_852 : i1
    %and3A_854 = arith.andi %ne3A_853, %ne3A_848 : i1
    %add3A_855 = arith.addi %rem3A_846, %select_n3A_845 : i32
    %select_n3A_856 = arith.select %and3A_854, %add3A_855, %rem3A_846 : i32
    %iota3A_857 = tpu.iota {dimensions = array<i32: 1>} : vector<1x128xi32>
    %eq3A_858 = vector.broadcast %select_n3A_856 : i32 to vector<1x128xi32>
    %eq3A_859 = arith.cmpi eq, %iota3A_857, %eq3A_858 : vector<1x128xi32>
    %get3A_860 = arith.constant 27 : index
    %get3A_861 = arith.constant 0 : index
    %get3A_862 = vector.load %arg30[%get3A_860, %get3A_861] : memref<32x128xf32, #tpu.memory_space<vmem>>, vector<1x128xf32>
    %jit3A_863 = arith.constant 0.000000e+00 : f32
    %broadcast_in_dim3A_864 = vector.broadcast %jit3A_863 : f32 to vector<1x128xf32>
    %select_n3A_865 = arith.select %eq3A_859, %get3A_862, %broadcast_in_dim3A_864 : vector<1x128xi1>, vector<1x128xf32>
    %mul3A_866 = arith.constant 32 : i32
    %mul3A_867 = arith.muli %arg0, %mul3A_866 : i32
    %add3A_868 = arith.constant 28 : i32
    %add3A_869 = arith.addi %mul3A_867, %add3A_868 : i32
    %get3A_870 = arith.index_cast %add3A_869 : i32 to index
    %get3A_871 = memref.load %arg1[%get3A_870] : memref<1024xi32, #tpu.memory_space<smem>>
    %jit3A_872 = arith.constant 128 : i32
    %eq3A_873 = arith.constant 0 : i32
    %eq3A_874 = arith.cmpi eq, %jit3A_872, %eq3A_873 : i32
    %jit3A_875 = arith.constant 1 : i32
    %select_n3A_876 = arith.select %eq3A_874, %jit3A_875, %jit3A_872 : i32
    %rem3A_877 = arith.remsi %get3A_871, %select_n3A_876 : i32
    %ne3A_878 = arith.constant 0 : i32
    %ne3A_879 = arith.cmpi ne, %rem3A_877, %ne3A_878 : i32
    %lt3A_880 = arith.constant 0 : i32
    %lt3A_881 = arith.cmpi slt, %rem3A_877, %lt3A_880 : i32
    %lt3A_882 = arith.constant 0 : i32
    %lt3A_883 = arith.cmpi slt, %select_n3A_876, %lt3A_882 : i32
    %ne3A_884 = arith.xori %lt3A_881, %lt3A_883 : i1
    %and3A_885 = arith.andi %ne3A_884, %ne3A_879 : i1
    %add3A_886 = arith.addi %rem3A_877, %select_n3A_876 : i32
    %select_n3A_887 = arith.select %and3A_885, %add3A_886, %rem3A_877 : i32
    %iota3A_888 = tpu.iota {dimensions = array<i32: 1>} : vector<1x128xi32>
    %eq3A_889 = vector.broadcast %select_n3A_887 : i32 to vector<1x128xi32>
    %eq3A_890 = arith.cmpi eq, %iota3A_888, %eq3A_889 : vector<1x128xi32>
    %get3A_891 = arith.constant 28 : index
    %get3A_892 = arith.constant 0 : index
    %get3A_893 = vector.load %arg31[%get3A_891, %get3A_892] : memref<32x128xf32, #tpu.memory_space<vmem>>, vector<1x128xf32>
    %jit3A_894 = arith.constant 0.000000e+00 : f32
    %broadcast_in_dim3A_895 = vector.broadcast %jit3A_894 : f32 to vector<1x128xf32>
    %select_n3A_896 = arith.select %eq3A_890, %get3A_893, %broadcast_in_dim3A_895 : vector<1x128xi1>, vector<1x128xf32>
    %mul3A_897 = arith.constant 32 : i32
    %mul3A_898 = arith.muli %arg0, %mul3A_897 : i32
    %add3A_899 = arith.constant 29 : i32
    %add3A_900 = arith.addi %mul3A_898, %add3A_899 : i32
    %get3A_901 = arith.index_cast %add3A_900 : i32 to index
    %get3A_902 = memref.load %arg1[%get3A_901] : memref<1024xi32, #tpu.memory_space<smem>>
    %jit3A_903 = arith.constant 128 : i32
    %eq3A_904 = arith.constant 0 : i32
    %eq3A_905 = arith.cmpi eq, %jit3A_903, %eq3A_904 : i32
    %jit3A_906 = arith.constant 1 : i32
    %select_n3A_907 = arith.select %eq3A_905, %jit3A_906, %jit3A_903 : i32
    %rem3A_908 = arith.remsi %get3A_902, %select_n3A_907 : i32
    %ne3A_909 = arith.constant 0 : i32
    %ne3A_910 = arith.cmpi ne, %rem3A_908, %ne3A_909 : i32
    %lt3A_911 = arith.constant 0 : i32
    %lt3A_912 = arith.cmpi slt, %rem3A_908, %lt3A_911 : i32
    %lt3A_913 = arith.constant 0 : i32
    %lt3A_914 = arith.cmpi slt, %select_n3A_907, %lt3A_913 : i32
    %ne3A_915 = arith.xori %lt3A_912, %lt3A_914 : i1
    %and3A_916 = arith.andi %ne3A_915, %ne3A_910 : i1
    %add3A_917 = arith.addi %rem3A_908, %select_n3A_907 : i32
    %select_n3A_918 = arith.select %and3A_916, %add3A_917, %rem3A_908 : i32
    %iota3A_919 = tpu.iota {dimensions = array<i32: 1>} : vector<1x128xi32>
    %eq3A_920 = vector.broadcast %select_n3A_918 : i32 to vector<1x128xi32>
    %eq3A_921 = arith.cmpi eq, %iota3A_919, %eq3A_920 : vector<1x128xi32>
    %get3A_922 = arith.constant 29 : index
    %get3A_923 = arith.constant 0 : index
    %get3A_924 = vector.load %arg32[%get3A_922, %get3A_923] : memref<32x128xf32, #tpu.memory_space<vmem>>, vector<1x128xf32>
    %jit3A_925 = arith.constant 0.000000e+00 : f32
    %broadcast_in_dim3A_926 = vector.broadcast %jit3A_925 : f32 to vector<1x128xf32>
    %select_n3A_927 = arith.select %eq3A_921, %get3A_924, %broadcast_in_dim3A_926 : vector<1x128xi1>, vector<1x128xf32>
    %mul3A_928 = arith.constant 32 : i32
    %mul3A_929 = arith.muli %arg0, %mul3A_928 : i32
    %add3A_930 = arith.constant 30 : i32
    %add3A_931 = arith.addi %mul3A_929, %add3A_930 : i32
    %get3A_932 = arith.index_cast %add3A_931 : i32 to index
    %get3A_933 = memref.load %arg1[%get3A_932] : memref<1024xi32, #tpu.memory_space<smem>>
    %jit3A_934 = arith.constant 128 : i32
    %eq3A_935 = arith.constant 0 : i32
    %eq3A_936 = arith.cmpi eq, %jit3A_934, %eq3A_935 : i32
    %jit3A_937 = arith.constant 1 : i32
    %select_n3A_938 = arith.select %eq3A_936, %jit3A_937, %jit3A_934 : i32
    %rem3A_939 = arith.remsi %get3A_933, %select_n3A_938 : i32
    %ne3A_940 = arith.constant 0 : i32
    %ne3A_941 = arith.cmpi ne, %rem3A_939, %ne3A_940 : i32
    %lt3A_942 = arith.constant 0 : i32
    %lt3A_943 = arith.cmpi slt, %rem3A_939, %lt3A_942 : i32
    %lt3A_944 = arith.constant 0 : i32
    %lt3A_945 = arith.cmpi slt, %select_n3A_938, %lt3A_944 : i32
    %ne3A_946 = arith.xori %lt3A_943, %lt3A_945 : i1
    %and3A_947 = arith.andi %ne3A_946, %ne3A_941 : i1
    %add3A_948 = arith.addi %rem3A_939, %select_n3A_938 : i32
    %select_n3A_949 = arith.select %and3A_947, %add3A_948, %rem3A_939 : i32
    %iota3A_950 = tpu.iota {dimensions = array<i32: 1>} : vector<1x128xi32>
    %eq3A_951 = vector.broadcast %select_n3A_949 : i32 to vector<1x128xi32>
    %eq3A_952 = arith.cmpi eq, %iota3A_950, %eq3A_951 : vector<1x128xi32>
    %get3A_953 = arith.constant 30 : index
    %get3A_954 = arith.constant 0 : index
    %get3A_955 = vector.load %arg33[%get3A_953, %get3A_954] : memref<32x128xf32, #tpu.memory_space<vmem>>, vector<1x128xf32>
    %jit3A_956 = arith.constant 0.000000e+00 : f32
    %broadcast_in_dim3A_957 = vector.broadcast %jit3A_956 : f32 to vector<1x128xf32>
    %select_n3A_958 = arith.select %eq3A_952, %get3A_955, %broadcast_in_dim3A_957 : vector<1x128xi1>, vector<1x128xf32>
    %mul3A_959 = arith.constant 32 : i32
    %mul3A_960 = arith.muli %arg0, %mul3A_959 : i32
    %add3A_961 = arith.constant 31 : i32
    %add3A_962 = arith.addi %mul3A_960, %add3A_961 : i32
    %get3A_963 = arith.index_cast %add3A_962 : i32 to index
    %get3A_964 = memref.load %arg1[%get3A_963] : memref<1024xi32, #tpu.memory_space<smem>>
    %jit3A_965 = arith.constant 128 : i32
    %eq3A_966 = arith.constant 0 : i32
    %eq3A_967 = arith.cmpi eq, %jit3A_965, %eq3A_966 : i32
    %jit3A_968 = arith.constant 1 : i32
    %select_n3A_969 = arith.select %eq3A_967, %jit3A_968, %jit3A_965 : i32
    %rem3A_970 = arith.remsi %get3A_964, %select_n3A_969 : i32
    %ne3A_971 = arith.constant 0 : i32
    %ne3A_972 = arith.cmpi ne, %rem3A_970, %ne3A_971 : i32
    %lt3A_973 = arith.constant 0 : i32
    %lt3A_974 = arith.cmpi slt, %rem3A_970, %lt3A_973 : i32
    %lt3A_975 = arith.constant 0 : i32
    %lt3A_976 = arith.cmpi slt, %select_n3A_969, %lt3A_975 : i32
    %ne3A_977 = arith.xori %lt3A_974, %lt3A_976 : i1
    %and3A_978 = arith.andi %ne3A_977, %ne3A_972 : i1
    %add3A_979 = arith.addi %rem3A_970, %select_n3A_969 : i32
    %select_n3A_980 = arith.select %and3A_978, %add3A_979, %rem3A_970 : i32
    %iota3A_981 = tpu.iota {dimensions = array<i32: 1>} : vector<1x128xi32>
    %eq3A_982 = vector.broadcast %select_n3A_980 : i32 to vector<1x128xi32>
    %eq3A_983 = arith.cmpi eq, %iota3A_981, %eq3A_982 : vector<1x128xi32>
    %get3A_984 = arith.constant 31 : index
    %get3A_985 = arith.constant 0 : index
    %get3A_986 = vector.load %arg34[%get3A_984, %get3A_985] : memref<32x128xf32, #tpu.memory_space<vmem>>, vector<1x128xf32>
    %jit3A_987 = arith.constant 0.000000e+00 : f32
    %broadcast_in_dim3A_988 = vector.broadcast %jit3A_987 : f32 to vector<1x128xf32>
    %select_n3A_989 = arith.select %eq3A_983, %get3A_986, %broadcast_in_dim3A_988 : vector<1x128xi1>, vector<1x128xf32>
    %concatenate3A = tpu.concatenate %select_n3A_28, %select_n3A_59, %select_n3A_90, %select_n3A_121, %select_n3A_152, %select_n3A_183, %select_n3A_214, %select_n3A_245, %select_n3A_276, %select_n3A_307, %select_n3A_338, %select_n3A_369, %select_n3A_400, %select_n3A_431, %select_n3A_462, %select_n3A_493, %select_n3A_524, %select_n3A_555, %select_n3A_586, %select_n3A_617, %select_n3A_648, %select_n3A_679, %select_n3A_710, %select_n3A_741, %select_n3A_772, %select_n3A_803, %select_n3A_834, %select_n3A_865, %select_n3A_896, %select_n3A_927, %select_n3A_958, %select_n3A_989 in 0 : vector<1x128xf32>, vector<1x128xf32>, vector<1x128xf32>, vector<1x128xf32>, vector<1x128xf32>, vector<1x128xf32>, vector<1x128xf32>, vector<1x128xf32>, vector<1x128xf32>, vector<1x128xf32>, vector<1x128xf32>, vector<1x128xf32>, vector<1x128xf32>, vector<1x128xf32>, vector<1x128xf32>, vector<1x128xf32>, vector<1x128xf32>, vector<1x128xf32>, vector<1x128xf32>, vector<1x128xf32>, vector<1x128xf32>, vector<1x128xf32>, vector<1x128xf32>, vector<1x128xf32>, vector<1x128xf32>, vector<1x128xf32>, vector<1x128xf32>, vector<1x128xf32>, vector<1x128xf32>, vector<1x128xf32>, vector<1x128xf32>, vector<1x128xf32> -> vector<32x128xf32>
    %reduce_sum3A_990 = arith.constant dense<0.000000e+00> : vector<32xf32>
    %reduce_sum3A_991 = vector.multi_reduction <add>, %concatenate3A, %reduce_sum3A_990 [1] : vector<32x128xf32> to vector<32xf32>
    %reshape3A_992 = vector.shape_cast %reduce_sum3A_991 : vector<32xf32> to vector<1x1x32xf32>
    %swap3A_993 = arith.constant 0 : index
    %swap3A_994 = arith.constant 0 : index
    %swap3A_995 = arith.constant 0 : index
    %swap3A_996 = vector.load %arg36[%swap3A_993, %swap3A_994, %swap3A_995] : memref<1x1x32xf32, #tpu.memory_space<vmem>>, vector<1x1x32xf32>
    tpu.vector_store %arg36[%swap3A_993, %swap3A_994, %swap3A_995], %reshape3A_992 {strides = array<i32>} : memref<1x1x32xf32, #tpu.memory_space<vmem>>, vector<1x1x32xf32>,
    return
  }
  func.func @transform_0(%arg0: i32, %arg1: memref<1024xi32, #tpu.memory_space<smem>>) -> (i32, i32) {
    %c0_i32 = arith.constant 0 : i32
    %c0_i32_0 = arith.constant 0 : i32
    return %arg0, %c0_i32 : i32, i32
  }
  func.func @transform_1(%arg0: i32, %arg1: memref<1024xi32, #tpu.memory_space<smem>>) -> (i32, i32) {
    %mul3A = arith.constant 32 : i32
    %mul3A_0 = arith.muli %arg0, %mul3A : i32
    %add3A = arith.constant 0 : i32
    %add3A_1 = arith.addi %mul3A_0, %add3A : i32
    %get3A = arith.index_cast %add3A_1 : i32 to index
    %get3A_2 = memref.load %arg1[%get3A] : memref<1024xi32, #tpu.memory_space<smem>>
    %jit3A = arith.constant 128 : i32
    %div3A = arith.divsi %get3A_2, %jit3A : i32
    %sign3A = arith.constant 0 : i32
    %sign3A_3 = arith.cmpi sgt, %get3A_2, %sign3A : i32
    %sign3A_4 = arith.extui %sign3A_3 : i1 to i32
    %sign3A_5 = arith.constant 0 : i32
    %sign3A_6 = arith.cmpi slt, %get3A_2, %sign3A_5 : i32
    %sign3A_7 = arith.extui %sign3A_6 : i1 to i32
    %sign3A_8 = arith.subi %sign3A_4, %sign3A_7 : i32
    %sign3A_9 = arith.constant 0 : i32
    %sign3A_10 = arith.cmpi sgt, %jit3A, %sign3A_9 : i32
    %sign3A_11 = arith.extui %sign3A_10 : i1 to i32
    %sign3A_12 = arith.constant 0 : i32
    %sign3A_13 = arith.cmpi slt, %jit3A, %sign3A_12 : i32
    %sign3A_14 = arith.extui %sign3A_13 : i1 to i32
    %sign3A_15 = arith.subi %sign3A_11, %sign3A_14 : i32
    %ne3A = arith.cmpi ne, %sign3A_8, %sign3A_15 : i32
    %rem3A = arith.remsi %get3A_2, %jit3A : i32
    %ne3A_16 = arith.constant 0 : i32
    %ne3A_17 = arith.cmpi ne, %rem3A, %ne3A_16 : i32
    %and3A = arith.andi %ne3A, %ne3A_17 : i1
    %sub3A = arith.constant 1 : i32
    %sub3A_18 = arith.subi %div3A, %sub3A : i32
    %select_n3A = arith.select %and3A, %sub3A_18, %div3A : i32
    %c0_i32 = arith.constant 0 : i32
    return %arg0, %select_n3A : i32, i32
  }
  func.func @transform_2(%arg0: i32, %arg1: memref<1024xi32, #tpu.memory_space<smem>>) -> (i32, i32) {
    %mul3A = arith.constant 32 : i32
    %mul3A_0 = arith.muli %arg0, %mul3A : i32
    %add3A = arith.constant 1 : i32
    %add3A_1 = arith.addi %mul3A_0, %add3A : i32
    %get3A = arith.index_cast %add3A_1 : i32 to index
    %get3A_2 = memref.load %arg1[%get3A] : memref<1024xi32, #tpu.memory_space<smem>>
    %jit3A = arith.constant 128 : i32
    %div3A = arith.divsi %get3A_2, %jit3A : i32
    %sign3A = arith.constant 0 : i32
    %sign3A_3 = arith.cmpi sgt, %get3A_2, %sign3A : i32
    %sign3A_4 = arith.extui %sign3A_3 : i1 to i32
    %sign3A_5 = arith.constant 0 : i32
    %sign3A_6 = arith.cmpi slt, %get3A_2, %sign3A_5 : i32
    %sign3A_7 = arith.extui %sign3A_6 : i1 to i32
    %sign3A_8 = arith.subi %sign3A_4, %sign3A_7 : i32
    %sign3A_9 = arith.constant 0 : i32
    %sign3A_10 = arith.cmpi sgt, %jit3A, %sign3A_9 : i32
    %sign3A_11 = arith.extui %sign3A_10 : i1 to i32
    %sign3A_12 = arith.constant 0 : i32
    %sign3A_13 = arith.cmpi slt, %jit3A, %sign3A_12 : i32
    %sign3A_14 = arith.extui %sign3A_13 : i1 to i32
    %sign3A_15 = arith.subi %sign3A_11, %sign3A_14 : i32
    %ne3A = arith.cmpi ne, %sign3A_8, %sign3A_15 : i32
    %rem3A = arith.remsi %get3A_2, %jit3A : i32
    %ne3A_16 = arith.constant 0 : i32
    %ne3A_17 = arith.cmpi ne, %rem3A, %ne3A_16 : i32
    %and3A = arith.andi %ne3A, %ne3A_17 : i1
    %sub3A = arith.constant 1 : i32
    %sub3A_18 = arith.subi %div3A, %sub3A : i32
    %select_n3A = arith.select %and3A, %sub3A_18, %div3A : i32
    %c0_i32 = arith.constant 0 : i32
    return %arg0, %select_n3A : i32, i32
  }
  func.func @transform_3(%arg0: i32, %arg1: memref<1024xi32, #tpu.memory_space<smem>>) -> (i32, i32) {
    %mul3A = arith.constant 32 : i32
    %mul3A_0 = arith.muli %arg0, %mul3A : i32
    %add3A = arith.constant 2 : i32
    %add3A_1 = arith.addi %mul3A_0, %add3A : i32
    %get3A = arith.index_cast %add3A_1 : i32 to index
    %get3A_2 = memref.load %arg1[%get3A] : memref<1024xi32, #tpu.memory_space<smem>>
    %jit3A = arith.constant 128 : i32
    %div3A = arith.divsi %get3A_2, %jit3A : i32
    %sign3A = arith.constant 0 : i32
    %sign3A_3 = arith.cmpi sgt, %get3A_2, %sign3A : i32
    %sign3A_4 = arith.extui %sign3A_3 : i1 to i32
    %sign3A_5 = arith.constant 0 : i32
    %sign3A_6 = arith.cmpi slt, %get3A_2, %sign3A_5 : i32
    %sign3A_7 = arith.extui %sign3A_6 : i1 to i32
    %sign3A_8 = arith.subi %sign3A_4, %sign3A_7 : i32
    %sign3A_9 = arith.constant 0 : i32
    %sign3A_10 = arith.cmpi sgt, %jit3A, %sign3A_9 : i32
    %sign3A_11 = arith.extui %sign3A_10 : i1 to i32
    %sign3A_12 = arith.constant 0 : i32
    %sign3A_13 = arith.cmpi slt, %jit3A, %sign3A_12 : i32
    %sign3A_14 = arith.extui %sign3A_13 : i1 to i32
    %sign3A_15 = arith.subi %sign3A_11, %sign3A_14 : i32
    %ne3A = arith.cmpi ne, %sign3A_8, %sign3A_15 : i32
    %rem3A = arith.remsi %get3A_2, %jit3A : i32
    %ne3A_16 = arith.constant 0 : i32
    %ne3A_17 = arith.cmpi ne, %rem3A, %ne3A_16 : i32
    %and3A = arith.andi %ne3A, %ne3A_17 : i1
    %sub3A = arith.constant 1 : i32
    %sub3A_18 = arith.subi %div3A, %sub3A : i32
    %select_n3A = arith.select %and3A, %sub3A_18, %div3A : i32
    %c0_i32 = arith.constant 0 : i32
    return %arg0, %select_n3A : i32, i32
  }
  func.func @transform_4(%arg0: i32, %arg1: memref<1024xi32, #tpu.memory_space<smem>>) -> (i32, i32) {
    %mul3A = arith.constant 32 : i32
    %mul3A_0 = arith.muli %arg0, %mul3A : i32
    %add3A = arith.constant 3 : i32
    %add3A_1 = arith.addi %mul3A_0, %add3A : i32
    %get3A = arith.index_cast %add3A_1 : i32 to index
    %get3A_2 = memref.load %arg1[%get3A] : memref<1024xi32, #tpu.memory_space<smem>>
    %jit3A = arith.constant 128 : i32
    %div3A = arith.divsi %get3A_2, %jit3A : i32
    %sign3A = arith.constant 0 : i32
    %sign3A_3 = arith.cmpi sgt, %get3A_2, %sign3A : i32
    %sign3A_4 = arith.extui %sign3A_3 : i1 to i32
    %sign3A_5 = arith.constant 0 : i32
    %sign3A_6 = arith.cmpi slt, %get3A_2, %sign3A_5 : i32
    %sign3A_7 = arith.extui %sign3A_6 : i1 to i32
    %sign3A_8 = arith.subi %sign3A_4, %sign3A_7 : i32
    %sign3A_9 = arith.constant 0 : i32
    %sign3A_10 = arith.cmpi sgt, %jit3A, %sign3A_9 : i32
    %sign3A_11 = arith.extui %sign3A_10 : i1 to i32
    %sign3A_12 = arith.constant 0 : i32
    %sign3A_13 = arith.cmpi slt, %jit3A, %sign3A_12 : i32
    %sign3A_14 = arith.extui %sign3A_13 : i1 to i32
    %sign3A_15 = arith.subi %sign3A_11, %sign3A_14 : i32
    %ne3A = arith.cmpi ne, %sign3A_8, %sign3A_15 : i32
    %rem3A = arith.remsi %get3A_2, %jit3A : i32
    %ne3A_16 = arith.constant 0 : i32
    %ne3A_17 = arith.cmpi ne, %rem3A, %ne3A_16 : i32
    %and3A = arith.andi %ne3A, %ne3A_17 : i1
    %sub3A = arith.constant 1 : i32
    %sub3A_18 = arith.subi %div3A, %sub3A : i32
    %select_n3A = arith.select %and3A, %sub3A_18, %div3A : i32
    %c0_i32 = arith.constant 0 : i32
    return %arg0, %select_n3A : i32, i32
  }
  func.func @transform_5(%arg0: i32, %arg1: memref<1024xi32, #tpu.memory_space<smem>>) -> (i32, i32) {
    %mul3A = arith.constant 32 : i32
    %mul3A_0 = arith.muli %arg0, %mul3A : i32
    %add3A = arith.constant 4 : i32
    %add3A_1 = arith.addi %mul3A_0, %add3A : i32
    %get3A = arith.index_cast %add3A_1 : i32 to index
    %get3A_2 = memref.load %arg1[%get3A] : memref<1024xi32, #tpu.memory_space<smem>>
    %jit3A = arith.constant 128 : i32
    %div3A = arith.divsi %get3A_2, %jit3A : i32
    %sign3A = arith.constant 0 : i32
    %sign3A_3 = arith.cmpi sgt, %get3A_2, %sign3A : i32
    %sign3A_4 = arith.extui %sign3A_3 : i1 to i32
    %sign3A_5 = arith.constant 0 : i32
    %sign3A_6 = arith.cmpi slt, %get3A_2, %sign3A_5 : i32
    %sign3A_7 = arith.extui %sign3A_6 : i1 to i32
    %sign3A_8 = arith.subi %sign3A_4, %sign3A_7 : i32
    %sign3A_9 = arith.constant 0 : i32
    %sign3A_10 = arith.cmpi sgt, %jit3A, %sign3A_9 : i32
    %sign3A_11 = arith.extui %sign3A_10 : i1 to i32
    %sign3A_12 = arith.constant 0 : i32
    %sign3A_13 = arith.cmpi slt, %jit3A, %sign3A_12 : i32
    %sign3A_14 = arith.extui %sign3A_13 : i1 to i32
    %sign3A_15 = arith.subi %sign3A_11, %sign3A_14 : i32
    %ne3A = arith.cmpi ne, %sign3A_8, %sign3A_15 : i32
    %rem3A = arith.remsi %get3A_2, %jit3A : i32
    %ne3A_16 = arith.constant 0 : i32
    %ne3A_17 = arith.cmpi ne, %rem3A, %ne3A_16 : i32
    %and3A = arith.andi %ne3A, %ne3A_17 : i1
    %sub3A = arith.constant 1 : i32
    %sub3A_18 = arith.subi %div3A, %sub3A : i32
    %select_n3A = arith.select %and3A, %sub3A_18, %div3A : i32
    %c0_i32 = arith.constant 0 : i32
    return %arg0, %select_n3A : i32, i32
  }
  func.func @transform_6(%arg0: i32, %arg1: memref<1024xi32, #tpu.memory_space<smem>>) -> (i32, i32) {
    %mul3A = arith.constant 32 : i32
    %mul3A_0 = arith.muli %arg0, %mul3A : i32
    %add3A = arith.constant 5 : i32
    %add3A_1 = arith.addi %mul3A_0, %add3A : i32
    %get3A = arith.index_cast %add3A_1 : i32 to index
    %get3A_2 = memref.load %arg1[%get3A] : memref<1024xi32, #tpu.memory_space<smem>>
    %jit3A = arith.constant 128 : i32
    %div3A = arith.divsi %get3A_2, %jit3A : i32
    %sign3A = arith.constant 0 : i32
    %sign3A_3 = arith.cmpi sgt, %get3A_2, %sign3A : i32
    %sign3A_4 = arith.extui %sign3A_3 : i1 to i32
    %sign3A_5 = arith.constant 0 : i32
    %sign3A_6 = arith.cmpi slt, %get3A_2, %sign3A_5 : i32
    %sign3A_7 = arith.extui %sign3A_6 : i1 to i32
    %sign3A_8 = arith.subi %sign3A_4, %sign3A_7 : i32
    %sign3A_9 = arith.constant 0 : i32
    %sign3A_10 = arith.cmpi sgt, %jit3A, %sign3A_9 : i32
    %sign3A_11 = arith.extui %sign3A_10 : i1 to i32
    %sign3A_12 = arith.constant 0 : i32
    %sign3A_13 = arith.cmpi slt, %jit3A, %sign3A_12 : i32
    %sign3A_14 = arith.extui %sign3A_13 : i1 to i32
    %sign3A_15 = arith.subi %sign3A_11, %sign3A_14 : i32
    %ne3A = arith.cmpi ne, %sign3A_8, %sign3A_15 : i32
    %rem3A = arith.remsi %get3A_2, %jit3A : i32
    %ne3A_16 = arith.constant 0 : i32
    %ne3A_17 = arith.cmpi ne, %rem3A, %ne3A_16 : i32
    %and3A = arith.andi %ne3A, %ne3A_17 : i1
    %sub3A = arith.constant 1 : i32
    %sub3A_18 = arith.subi %div3A, %sub3A : i32
    %select_n3A = arith.select %and3A, %sub3A_18, %div3A : i32
    %c0_i32 = arith.constant 0 : i32
    return %arg0, %select_n3A : i32, i32
  }
  func.func @transform_7(%arg0: i32, %arg1: memref<1024xi32, #tpu.memory_space<smem>>) -> (i32, i32) {
    %mul3A = arith.constant 32 : i32
    %mul3A_0 = arith.muli %arg0, %mul3A : i32
    %add3A = arith.constant 6 : i32
    %add3A_1 = arith.addi %mul3A_0, %add3A : i32
    %get3A = arith.index_cast %add3A_1 : i32 to index
    %get3A_2 = memref.load %arg1[%get3A] : memref<1024xi32, #tpu.memory_space<smem>>
    %jit3A = arith.constant 128 : i32
    %div3A = arith.divsi %get3A_2, %jit3A : i32
    %sign3A = arith.constant 0 : i32
    %sign3A_3 = arith.cmpi sgt, %get3A_2, %sign3A : i32
    %sign3A_4 = arith.extui %sign3A_3 : i1 to i32
    %sign3A_5 = arith.constant 0 : i32
    %sign3A_6 = arith.cmpi slt, %get3A_2, %sign3A_5 : i32
    %sign3A_7 = arith.extui %sign3A_6 : i1 to i32
    %sign3A_8 = arith.subi %sign3A_4, %sign3A_7 : i32
    %sign3A_9 = arith.constant 0 : i32
    %sign3A_10 = arith.cmpi sgt, %jit3A, %sign3A_9 : i32
    %sign3A_11 = arith.extui %sign3A_10 : i1 to i32
    %sign3A_12 = arith.constant 0 : i32
    %sign3A_13 = arith.cmpi slt, %jit3A, %sign3A_12 : i32
    %sign3A_14 = arith.extui %sign3A_13 : i1 to i32
    %sign3A_15 = arith.subi %sign3A_11, %sign3A_14 : i32
    %ne3A = arith.cmpi ne, %sign3A_8, %sign3A_15 : i32
    %rem3A = arith.remsi %get3A_2, %jit3A : i32
    %ne3A_16 = arith.constant 0 : i32
    %ne3A_17 = arith.cmpi ne, %rem3A, %ne3A_16 : i32
    %and3A = arith.andi %ne3A, %ne3A_17 : i1
    %sub3A = arith.constant 1 : i32
    %sub3A_18 = arith.subi %div3A, %sub3A : i32
    %select_n3A = arith.select %and3A, %sub3A_18, %div3A : i32
    %c0_i32 = arith.constant 0 : i32
    return %arg0, %select_n3A : i32, i32
  }
  func.func @transform_8(%arg0: i32, %arg1: memref<1024xi32, #tpu.memory_space<smem>>) -> (i32, i32) {
    %mul3A = arith.constant 32 : i32
    %mul3A_0 = arith.muli %arg0, %mul3A : i32
    %add3A = arith.constant 7 : i32
    %add3A_1 = arith.addi %mul3A_0, %add3A : i32
    %get3A = arith.index_cast %add3A_1 : i32 to index
    %get3A_2 = memref.load %arg1[%get3A] : memref<1024xi32, #tpu.memory_space<smem>>
    %jit3A = arith.constant 128 : i32
    %div3A = arith.divsi %get3A_2, %jit3A : i32
    %sign3A = arith.constant 0 : i32
    %sign3A_3 = arith.cmpi sgt, %get3A_2, %sign3A : i32
    %sign3A_4 = arith.extui %sign3A_3 : i1 to i32
    %sign3A_5 = arith.constant 0 : i32
    %sign3A_6 = arith.cmpi slt, %get3A_2, %sign3A_5 : i32
    %sign3A_7 = arith.extui %sign3A_6 : i1 to i32
    %sign3A_8 = arith.subi %sign3A_4, %sign3A_7 : i32
    %sign3A_9 = arith.constant 0 : i32
    %sign3A_10 = arith.cmpi sgt, %jit3A, %sign3A_9 : i32
    %sign3A_11 = arith.extui %sign3A_10 : i1 to i32
    %sign3A_12 = arith.constant 0 : i32
    %sign3A_13 = arith.cmpi slt, %jit3A, %sign3A_12 : i32
    %sign3A_14 = arith.extui %sign3A_13 : i1 to i32
    %sign3A_15 = arith.subi %sign3A_11, %sign3A_14 : i32
    %ne3A = arith.cmpi ne, %sign3A_8, %sign3A_15 : i32
    %rem3A = arith.remsi %get3A_2, %jit3A : i32
    %ne3A_16 = arith.constant 0 : i32
    %ne3A_17 = arith.cmpi ne, %rem3A, %ne3A_16 : i32
    %and3A = arith.andi %ne3A, %ne3A_17 : i1
    %sub3A = arith.constant 1 : i32
    %sub3A_18 = arith.subi %div3A, %sub3A : i32
    %select_n3A = arith.select %and3A, %sub3A_18, %div3A : i32
    %c0_i32 = arith.constant 0 : i32
    return %arg0, %select_n3A : i32, i32
  }
  func.func @transform_9(%arg0: i32, %arg1: memref<1024xi32, #tpu.memory_space<smem>>) -> (i32, i32) {
    %mul3A = arith.constant 32 : i32
    %mul3A_0 = arith.muli %arg0, %mul3A : i32
    %add3A = arith.constant 8 : i32
    %add3A_1 = arith.addi %mul3A_0, %add3A : i32
    %get3A = arith.index_cast %add3A_1 : i32 to index
    %get3A_2 = memref.load %arg1[%get3A] : memref<1024xi32, #tpu.memory_space<smem>>
    %jit3A = arith.constant 128 : i32
    %div3A = arith.divsi %get3A_2, %jit3A : i32
    %sign3A = arith.constant 0 : i32
    %sign3A_3 = arith.cmpi sgt, %get3A_2, %sign3A : i32
    %sign3A_4 = arith.extui %sign3A_3 : i1 to i32
    %sign3A_5 = arith.constant 0 : i32
    %sign3A_6 = arith.cmpi slt, %get3A_2, %sign3A_5 : i32
    %sign3A_7 = arith.extui %sign3A_6 : i1 to i32
    %sign3A_8 = arith.subi %sign3A_4, %sign3A_7 : i32
    %sign3A_9 = arith.constant 0 : i32
    %sign3A_10 = arith.cmpi sgt, %jit3A, %sign3A_9 : i32
    %sign3A_11 = arith.extui %sign3A_10 : i1 to i32
    %sign3A_12 = arith.constant 0 : i32
    %sign3A_13 = arith.cmpi slt, %jit3A, %sign3A_12 : i32
    %sign3A_14 = arith.extui %sign3A_13 : i1 to i32
    %sign3A_15 = arith.subi %sign3A_11, %sign3A_14 : i32
    %ne3A = arith.cmpi ne, %sign3A_8, %sign3A_15 : i32
    %rem3A = arith.remsi %get3A_2, %jit3A : i32
    %ne3A_16 = arith.constant 0 : i32
    %ne3A_17 = arith.cmpi ne, %rem3A, %ne3A_16 : i32
    %and3A = arith.andi %ne3A, %ne3A_17 : i1
    %sub3A = arith.constant 1 : i32
    %sub3A_18 = arith.subi %div3A, %sub3A : i32
    %select_n3A = arith.select %and3A, %sub3A_18, %div3A : i32
    %c0_i32 = arith.constant 0 : i32
    return %arg0, %select_n3A : i32, i32
  }
  func.func @transform_10(%arg0: i32, %arg1: memref<1024xi32, #tpu.memory_space<smem>>) -> (i32, i32) {
    %mul3A = arith.constant 32 : i32
    %mul3A_0 = arith.muli %arg0, %mul3A : i32
    %add3A = arith.constant 9 : i32
    %add3A_1 = arith.addi %mul3A_0, %add3A : i32
    %get3A = arith.index_cast %add3A_1 : i32 to index
    %get3A_2 = memref.load %arg1[%get3A] : memref<1024xi32, #tpu.memory_space<smem>>
    %jit3A = arith.constant 128 : i32
    %div3A = arith.divsi %get3A_2, %jit3A : i32
    %sign3A = arith.constant 0 : i32
    %sign3A_3 = arith.cmpi sgt, %get3A_2, %sign3A : i32
    %sign3A_4 = arith.extui %sign3A_3 : i1 to i32
    %sign3A_5 = arith.constant 0 : i32
    %sign3A_6 = arith.cmpi slt, %get3A_2, %sign3A_5 : i32
    %sign3A_7 = arith.extui %sign3A_6 : i1 to i32
    %sign3A_8 = arith.subi %sign3A_4, %sign3A_7 : i32
    %sign3A_9 = arith.constant 0 : i32
    %sign3A_10 = arith.cmpi sgt, %jit3A, %sign3A_9 : i32
    %sign3A_11 = arith.extui %sign3A_10 : i1 to i32
    %sign3A_12 = arith.constant 0 : i32
    %sign3A_13 = arith.cmpi slt, %jit3A, %sign3A_12 : i32
    %sign3A_14 = arith.extui %sign3A_13 : i1 to i32
    %sign3A_15 = arith.subi %sign3A_11, %sign3A_14 : i32
    %ne3A = arith.cmpi ne, %sign3A_8, %sign3A_15 : i32
    %rem3A = arith.remsi %get3A_2, %jit3A : i32
    %ne3A_16 = arith.constant 0 : i32
    %ne3A_17 = arith.cmpi ne, %rem3A, %ne3A_16 : i32
    %and3A = arith.andi %ne3A, %ne3A_17 : i1
    %sub3A = arith.constant 1 : i32
    %sub3A_18 = arith.subi %div3A, %sub3A : i32
    %select_n3A = arith.select %and3A, %sub3A_18, %div3A : i32
    %c0_i32 = arith.constant 0 : i32
    return %arg0, %select_n3A : i32, i32
  }
  func.func @transform_11(%arg0: i32, %arg1: memref<1024xi32, #tpu.memory_space<smem>>) -> (i32, i32) {
    %mul3A = arith.constant 32 : i32
    %mul3A_0 = arith.muli %arg0, %mul3A : i32
    %add3A = arith.constant 10 : i32
    %add3A_1 = arith.addi %mul3A_0, %add3A : i32
    %get3A = arith.index_cast %add3A_1 : i32 to index
    %get3A_2 = memref.load %arg1[%get3A] : memref<1024xi32, #tpu.memory_space<smem>>
    %jit3A = arith.constant 128 : i32
    %div3A = arith.divsi %get3A_2, %jit3A : i32
    %sign3A = arith.constant 0 : i32
    %sign3A_3 = arith.cmpi sgt, %get3A_2, %sign3A : i32
    %sign3A_4 = arith.extui %sign3A_3 : i1 to i32
    %sign3A_5 = arith.constant 0 : i32
    %sign3A_6 = arith.cmpi slt, %get3A_2, %sign3A_5 : i32
    %sign3A_7 = arith.extui %sign3A_6 : i1 to i32
    %sign3A_8 = arith.subi %sign3A_4, %sign3A_7 : i32
    %sign3A_9 = arith.constant 0 : i32
    %sign3A_10 = arith.cmpi sgt, %jit3A, %sign3A_9 : i32
    %sign3A_11 = arith.extui %sign3A_10 : i1 to i32
    %sign3A_12 = arith.constant 0 : i32
    %sign3A_13 = arith.cmpi slt, %jit3A, %sign3A_12 : i32
    %sign3A_14 = arith.extui %sign3A_13 : i1 to i32
    %sign3A_15 = arith.subi %sign3A_11, %sign3A_14 : i32
    %ne3A = arith.cmpi ne, %sign3A_8, %sign3A_15 : i32
    %rem3A = arith.remsi %get3A_2, %jit3A : i32
    %ne3A_16 = arith.constant 0 : i32
    %ne3A_17 = arith.cmpi ne, %rem3A, %ne3A_16 : i32
    %and3A = arith.andi %ne3A, %ne3A_17 : i1
    %sub3A = arith.constant 1 : i32
    %sub3A_18 = arith.subi %div3A, %sub3A : i32
    %select_n3A = arith.select %and3A, %sub3A_18, %div3A : i32
    %c0_i32 = arith.constant 0 : i32
    return %arg0, %select_n3A : i32, i32
  }
  func.func @transform_12(%arg0: i32, %arg1: memref<1024xi32, #tpu.memory_space<smem>>) -> (i32, i32) {
    %mul3A = arith.constant 32 : i32
    %mul3A_0 = arith.muli %arg0, %mul3A : i32
    %add3A = arith.constant 11 : i32
    %add3A_1 = arith.addi %mul3A_0, %add3A : i32
    %get3A = arith.index_cast %add3A_1 : i32 to index
    %get3A_2 = memref.load %arg1[%get3A] : memref<1024xi32, #tpu.memory_space<smem>>
    %jit3A = arith.constant 128 : i32
    %div3A = arith.divsi %get3A_2, %jit3A : i32
    %sign3A = arith.constant 0 : i32
    %sign3A_3 = arith.cmpi sgt, %get3A_2, %sign3A : i32
    %sign3A_4 = arith.extui %sign3A_3 : i1 to i32
    %sign3A_5 = arith.constant 0 : i32
    %sign3A_6 = arith.cmpi slt, %get3A_2, %sign3A_5 : i32
    %sign3A_7 = arith.extui %sign3A_6 : i1 to i32
    %sign3A_8 = arith.subi %sign3A_4, %sign3A_7 : i32
    %sign3A_9 = arith.constant 0 : i32
    %sign3A_10 = arith.cmpi sgt, %jit3A, %sign3A_9 : i32
    %sign3A_11 = arith.extui %sign3A_10 : i1 to i32
    %sign3A_12 = arith.constant 0 : i32
    %sign3A_13 = arith.cmpi slt, %jit3A, %sign3A_12 : i32
    %sign3A_14 = arith.extui %sign3A_13 : i1 to i32
    %sign3A_15 = arith.subi %sign3A_11, %sign3A_14 : i32
    %ne3A = arith.cmpi ne, %sign3A_8, %sign3A_15 : i32
    %rem3A = arith.remsi %get3A_2, %jit3A : i32
    %ne3A_16 = arith.constant 0 : i32
    %ne3A_17 = arith.cmpi ne, %rem3A, %ne3A_16 : i32
    %and3A = arith.andi %ne3A, %ne3A_17 : i1
    %sub3A = arith.constant 1 : i32
    %sub3A_18 = arith.subi %div3A, %sub3A : i32
    %select_n3A = arith.select %and3A, %sub3A_18, %div3A : i32
    %c0_i32 = arith.constant 0 : i32
    return %arg0, %select_n3A : i32, i32
  }
  func.func @transform_13(%arg0: i32, %arg1: memref<1024xi32, #tpu.memory_space<smem>>) -> (i32, i32) {
    %mul3A = arith.constant 32 : i32
    %mul3A_0 = arith.muli %arg0, %mul3A : i32
    %add3A = arith.constant 12 : i32
    %add3A_1 = arith.addi %mul3A_0, %add3A : i32
    %get3A = arith.index_cast %add3A_1 : i32 to index
    %get3A_2 = memref.load %arg1[%get3A] : memref<1024xi32, #tpu.memory_space<smem>>
    %jit3A = arith.constant 128 : i32
    %div3A = arith.divsi %get3A_2, %jit3A : i32
    %sign3A = arith.constant 0 : i32
    %sign3A_3 = arith.cmpi sgt, %get3A_2, %sign3A : i32
    %sign3A_4 = arith.extui %sign3A_3 : i1 to i32
    %sign3A_5 = arith.constant 0 : i32
    %sign3A_6 = arith.cmpi slt, %get3A_2, %sign3A_5 : i32
    %sign3A_7 = arith.extui %sign3A_6 : i1 to i32
    %sign3A_8 = arith.subi %sign3A_4, %sign3A_7 : i32
    %sign3A_9 = arith.constant 0 : i32
    %sign3A_10 = arith.cmpi sgt, %jit3A, %sign3A_9 : i32
    %sign3A_11 = arith.extui %sign3A_10 : i1 to i32
    %sign3A_12 = arith.constant 0 : i32
    %sign3A_13 = arith.cmpi slt, %jit3A, %sign3A_12 : i32
    %sign3A_14 = arith.extui %sign3A_13 : i1 to i32
    %sign3A_15 = arith.subi %sign3A_11, %sign3A_14 : i32
    %ne3A = arith.cmpi ne, %sign3A_8, %sign3A_15 : i32
    %rem3A = arith.remsi %get3A_2, %jit3A : i32
    %ne3A_16 = arith.constant 0 : i32
    %ne3A_17 = arith.cmpi ne, %rem3A, %ne3A_16 : i32
    %and3A = arith.andi %ne3A, %ne3A_17 : i1
    %sub3A = arith.constant 1 : i32
    %sub3A_18 = arith.subi %div3A, %sub3A : i32
    %select_n3A = arith.select %and3A, %sub3A_18, %div3A : i32
    %c0_i32 = arith.constant 0 : i32
    return %arg0, %select_n3A : i32, i32
  }
  func.func @transform_14(%arg0: i32, %arg1: memref<1024xi32, #tpu.memory_space<smem>>) -> (i32, i32) {
    %mul3A = arith.constant 32 : i32
    %mul3A_0 = arith.muli %arg0, %mul3A : i32
    %add3A = arith.constant 13 : i32
    %add3A_1 = arith.addi %mul3A_0, %add3A : i32
    %get3A = arith.index_cast %add3A_1 : i32 to index
    %get3A_2 = memref.load %arg1[%get3A] : memref<1024xi32, #tpu.memory_space<smem>>
    %jit3A = arith.constant 128 : i32
    %div3A = arith.divsi %get3A_2, %jit3A : i32
    %sign3A = arith.constant 0 : i32
    %sign3A_3 = arith.cmpi sgt, %get3A_2, %sign3A : i32
    %sign3A_4 = arith.extui %sign3A_3 : i1 to i32
    %sign3A_5 = arith.constant 0 : i32
    %sign3A_6 = arith.cmpi slt, %get3A_2, %sign3A_5 : i32
    %sign3A_7 = arith.extui %sign3A_6 : i1 to i32
    %sign3A_8 = arith.subi %sign3A_4, %sign3A_7 : i32
    %sign3A_9 = arith.constant 0 : i32
    %sign3A_10 = arith.cmpi sgt, %jit3A, %sign3A_9 : i32
    %sign3A_11 = arith.extui %sign3A_10 : i1 to i32
    %sign3A_12 = arith.constant 0 : i32
    %sign3A_13 = arith.cmpi slt, %jit3A, %sign3A_12 : i32
    %sign3A_14 = arith.extui %sign3A_13 : i1 to i32
    %sign3A_15 = arith.subi %sign3A_11, %sign3A_14 : i32
    %ne3A = arith.cmpi ne, %sign3A_8, %sign3A_15 : i32
    %rem3A = arith.remsi %get3A_2, %jit3A : i32
    %ne3A_16 = arith.constant 0 : i32
    %ne3A_17 = arith.cmpi ne, %rem3A, %ne3A_16 : i32
    %and3A = arith.andi %ne3A, %ne3A_17 : i1
    %sub3A = arith.constant 1 : i32
    %sub3A_18 = arith.subi %div3A, %sub3A : i32
    %select_n3A = arith.select %and3A, %sub3A_18, %div3A : i32
    %c0_i32 = arith.constant 0 : i32
    return %arg0, %select_n3A : i32, i32
  }
  func.func @transform_15(%arg0: i32, %arg1: memref<1024xi32, #tpu.memory_space<smem>>) -> (i32, i32) {
    %mul3A = arith.constant 32 : i32
    %mul3A_0 = arith.muli %arg0, %mul3A : i32
    %add3A = arith.constant 14 : i32
    %add3A_1 = arith.addi %mul3A_0, %add3A : i32
    %get3A = arith.index_cast %add3A_1 : i32 to index
    %get3A_2 = memref.load %arg1[%get3A] : memref<1024xi32, #tpu.memory_space<smem>>
    %jit3A = arith.constant 128 : i32
    %div3A = arith.divsi %get3A_2, %jit3A : i32
    %sign3A = arith.constant 0 : i32
    %sign3A_3 = arith.cmpi sgt, %get3A_2, %sign3A : i32
    %sign3A_4 = arith.extui %sign3A_3 : i1 to i32
    %sign3A_5 = arith.constant 0 : i32
    %sign3A_6 = arith.cmpi slt, %get3A_2, %sign3A_5 : i32
    %sign3A_7 = arith.extui %sign3A_6 : i1 to i32
    %sign3A_8 = arith.subi %sign3A_4, %sign3A_7 : i32
    %sign3A_9 = arith.constant 0 : i32
    %sign3A_10 = arith.cmpi sgt, %jit3A, %sign3A_9 : i32
    %sign3A_11 = arith.extui %sign3A_10 : i1 to i32
    %sign3A_12 = arith.constant 0 : i32
    %sign3A_13 = arith.cmpi slt, %jit3A, %sign3A_12 : i32
    %sign3A_14 = arith.extui %sign3A_13 : i1 to i32
    %sign3A_15 = arith.subi %sign3A_11, %sign3A_14 : i32
    %ne3A = arith.cmpi ne, %sign3A_8, %sign3A_15 : i32
    %rem3A = arith.remsi %get3A_2, %jit3A : i32
    %ne3A_16 = arith.constant 0 : i32
    %ne3A_17 = arith.cmpi ne, %rem3A, %ne3A_16 : i32
    %and3A = arith.andi %ne3A, %ne3A_17 : i1
    %sub3A = arith.constant 1 : i32
    %sub3A_18 = arith.subi %div3A, %sub3A : i32
    %select_n3A = arith.select %and3A, %sub3A_18, %div3A : i32
    %c0_i32 = arith.constant 0 : i32
    return %arg0, %select_n3A : i32, i32
  }
  func.func @transform_16(%arg0: i32, %arg1: memref<1024xi32, #tpu.memory_space<smem>>) -> (i32, i32) {
    %mul3A = arith.constant 32 : i32
    %mul3A_0 = arith.muli %arg0, %mul3A : i32
    %add3A = arith.constant 15 : i32
    %add3A_1 = arith.addi %mul3A_0, %add3A : i32
    %get3A = arith.index_cast %add3A_1 : i32 to index
    %get3A_2 = memref.load %arg1[%get3A] : memref<1024xi32, #tpu.memory_space<smem>>
    %jit3A = arith.constant 128 : i32
    %div3A = arith.divsi %get3A_2, %jit3A : i32
    %sign3A = arith.constant 0 : i32
    %sign3A_3 = arith.cmpi sgt, %get3A_2, %sign3A : i32
    %sign3A_4 = arith.extui %sign3A_3 : i1 to i32
    %sign3A_5 = arith.constant 0 : i32
    %sign3A_6 = arith.cmpi slt, %get3A_2, %sign3A_5 : i32
    %sign3A_7 = arith.extui %sign3A_6 : i1 to i32
    %sign3A_8 = arith.subi %sign3A_4, %sign3A_7 : i32
    %sign3A_9 = arith.constant 0 : i32
    %sign3A_10 = arith.cmpi sgt, %jit3A, %sign3A_9 : i32
    %sign3A_11 = arith.extui %sign3A_10 : i1 to i32
    %sign3A_12 = arith.constant 0 : i32
    %sign3A_13 = arith.cmpi slt, %jit3A, %sign3A_12 : i32
    %sign3A_14 = arith.extui %sign3A_13 : i1 to i32
    %sign3A_15 = arith.subi %sign3A_11, %sign3A_14 : i32
    %ne3A = arith.cmpi ne, %sign3A_8, %sign3A_15 : i32
    %rem3A = arith.remsi %get3A_2, %jit3A : i32
    %ne3A_16 = arith.constant 0 : i32
    %ne3A_17 = arith.cmpi ne, %rem3A, %ne3A_16 : i32
    %and3A = arith.andi %ne3A, %ne3A_17 : i1
    %sub3A = arith.constant 1 : i32
    %sub3A_18 = arith.subi %div3A, %sub3A : i32
    %select_n3A = arith.select %and3A, %sub3A_18, %div3A : i32
    %c0_i32 = arith.constant 0 : i32
    return %arg0, %select_n3A : i32, i32
  }
  func.func @transform_17(%arg0: i32, %arg1: memref<1024xi32, #tpu.memory_space<smem>>) -> (i32, i32) {
    %mul3A = arith.constant 32 : i32
    %mul3A_0 = arith.muli %arg0, %mul3A : i32
    %add3A = arith.constant 16 : i32
    %add3A_1 = arith.addi %mul3A_0, %add3A : i32
    %get3A = arith.index_cast %add3A_1 : i32 to index
    %get3A_2 = memref.load %arg1[%get3A] : memref<1024xi32, #tpu.memory_space<smem>>
    %jit3A = arith.constant 128 : i32
    %div3A = arith.divsi %get3A_2, %jit3A : i32
    %sign3A = arith.constant 0 : i32
    %sign3A_3 = arith.cmpi sgt, %get3A_2, %sign3A : i32
    %sign3A_4 = arith.extui %sign3A_3 : i1 to i32
    %sign3A_5 = arith.constant 0 : i32
    %sign3A_6 = arith.cmpi slt, %get3A_2, %sign3A_5 : i32
    %sign3A_7 = arith.extui %sign3A_6 : i1 to i32
    %sign3A_8 = arith.subi %sign3A_4, %sign3A_7 : i32
    %sign3A_9 = arith.constant 0 : i32
    %sign3A_10 = arith.cmpi sgt, %jit3A, %sign3A_9 : i32
    %sign3A_11 = arith.extui %sign3A_10 : i1 to i32
    %sign3A_12 = arith.constant 0 : i32
    %sign3A_13 = arith.cmpi slt, %jit3A, %sign3A_12 : i32
    %sign3A_14 = arith.extui %sign3A_13 : i1 to i32
    %sign3A_15 = arith.subi %sign3A_11, %sign3A_14 : i32
    %ne3A = arith.cmpi ne, %sign3A_8, %sign3A_15 : i32
    %rem3A = arith.remsi %get3A_2, %jit3A : i32
    %ne3A_16 = arith.constant 0 : i32
    %ne3A_17 = arith.cmpi ne, %rem3A, %ne3A_16 : i32
    %and3A = arith.andi %ne3A, %ne3A_17 : i1
    %sub3A = arith.constant 1 : i32
    %sub3A_18 = arith.subi %div3A, %sub3A : i32
    %select_n3A = arith.select %and3A, %sub3A_18, %div3A : i32
    %c0_i32 = arith.constant 0 : i32
    return %arg0, %select_n3A : i32, i32
  }
  func.func @transform_18(%arg0: i32, %arg1: memref<1024xi32, #tpu.memory_space<smem>>) -> (i32, i32) {
    %mul3A = arith.constant 32 : i32
    %mul3A_0 = arith.muli %arg0, %mul3A : i32
    %add3A = arith.constant 17 : i32
    %add3A_1 = arith.addi %mul3A_0, %add3A : i32
    %get3A = arith.index_cast %add3A_1 : i32 to index
    %get3A_2 = memref.load %arg1[%get3A] : memref<1024xi32, #tpu.memory_space<smem>>
    %jit3A = arith.constant 128 : i32
    %div3A = arith.divsi %get3A_2, %jit3A : i32
    %sign3A = arith.constant 0 : i32
    %sign3A_3 = arith.cmpi sgt, %get3A_2, %sign3A : i32
    %sign3A_4 = arith.extui %sign3A_3 : i1 to i32
    %sign3A_5 = arith.constant 0 : i32
    %sign3A_6 = arith.cmpi slt, %get3A_2, %sign3A_5 : i32
    %sign3A_7 = arith.extui %sign3A_6 : i1 to i32
    %sign3A_8 = arith.subi %sign3A_4, %sign3A_7 : i32
    %sign3A_9 = arith.constant 0 : i32
    %sign3A_10 = arith.cmpi sgt, %jit3A, %sign3A_9 : i32
    %sign3A_11 = arith.extui %sign3A_10 : i1 to i32
    %sign3A_12 = arith.constant 0 : i32
    %sign3A_13 = arith.cmpi slt, %jit3A, %sign3A_12 : i32
    %sign3A_14 = arith.extui %sign3A_13 : i1 to i32
    %sign3A_15 = arith.subi %sign3A_11, %sign3A_14 : i32
    %ne3A = arith.cmpi ne, %sign3A_8, %sign3A_15 : i32
    %rem3A = arith.remsi %get3A_2, %jit3A : i32
    %ne3A_16 = arith.constant 0 : i32
    %ne3A_17 = arith.cmpi ne, %rem3A, %ne3A_16 : i32
    %and3A = arith.andi %ne3A, %ne3A_17 : i1
    %sub3A = arith.constant 1 : i32
    %sub3A_18 = arith.subi %div3A, %sub3A : i32
    %select_n3A = arith.select %and3A, %sub3A_18, %div3A : i32
    %c0_i32 = arith.constant 0 : i32
    return %arg0, %select_n3A : i32, i32
  }
  func.func @transform_19(%arg0: i32, %arg1: memref<1024xi32, #tpu.memory_space<smem>>) -> (i32, i32) {
    %mul3A = arith.constant 32 : i32
    %mul3A_0 = arith.muli %arg0, %mul3A : i32
    %add3A = arith.constant 18 : i32
    %add3A_1 = arith.addi %mul3A_0, %add3A : i32
    %get3A = arith.index_cast %add3A_1 : i32 to index
    %get3A_2 = memref.load %arg1[%get3A] : memref<1024xi32, #tpu.memory_space<smem>>
    %jit3A = arith.constant 128 : i32
    %div3A = arith.divsi %get3A_2, %jit3A : i32
    %sign3A = arith.constant 0 : i32
    %sign3A_3 = arith.cmpi sgt, %get3A_2, %sign3A : i32
    %sign3A_4 = arith.extui %sign3A_3 : i1 to i32
    %sign3A_5 = arith.constant 0 : i32
    %sign3A_6 = arith.cmpi slt, %get3A_2, %sign3A_5 : i32
    %sign3A_7 = arith.extui %sign3A_6 : i1 to i32
    %sign3A_8 = arith.subi %sign3A_4, %sign3A_7 : i32
    %sign3A_9 = arith.constant 0 : i32
    %sign3A_10 = arith.cmpi sgt, %jit3A, %sign3A_9 : i32
    %sign3A_11 = arith.extui %sign3A_10 : i1 to i32
    %sign3A_12 = arith.constant 0 : i32
    %sign3A_13 = arith.cmpi slt, %jit3A, %sign3A_12 : i32
    %sign3A_14 = arith.extui %sign3A_13 : i1 to i32
    %sign3A_15 = arith.subi %sign3A_11, %sign3A_14 : i32
    %ne3A = arith.cmpi ne, %sign3A_8, %sign3A_15 : i32
    %rem3A = arith.remsi %get3A_2, %jit3A : i32
    %ne3A_16 = arith.constant 0 : i32
    %ne3A_17 = arith.cmpi ne, %rem3A, %ne3A_16 : i32
    %and3A = arith.andi %ne3A, %ne3A_17 : i1
    %sub3A = arith.constant 1 : i32
    %sub3A_18 = arith.subi %div3A, %sub3A : i32
    %select_n3A = arith.select %and3A, %sub3A_18, %div3A : i32
    %c0_i32 = arith.constant 0 : i32
    return %arg0, %select_n3A : i32, i32
  }
  func.func @transform_20(%arg0: i32, %arg1: memref<1024xi32, #tpu.memory_space<smem>>) -> (i32, i32) {
    %mul3A = arith.constant 32 : i32
    %mul3A_0 = arith.muli %arg0, %mul3A : i32
    %add3A = arith.constant 19 : i32
    %add3A_1 = arith.addi %mul3A_0, %add3A : i32
    %get3A = arith.index_cast %add3A_1 : i32 to index
    %get3A_2 = memref.load %arg1[%get3A] : memref<1024xi32, #tpu.memory_space<smem>>
    %jit3A = arith.constant 128 : i32
    %div3A = arith.divsi %get3A_2, %jit3A : i32
    %sign3A = arith.constant 0 : i32
    %sign3A_3 = arith.cmpi sgt, %get3A_2, %sign3A : i32
    %sign3A_4 = arith.extui %sign3A_3 : i1 to i32
    %sign3A_5 = arith.constant 0 : i32
    %sign3A_6 = arith.cmpi slt, %get3A_2, %sign3A_5 : i32
    %sign3A_7 = arith.extui %sign3A_6 : i1 to i32
    %sign3A_8 = arith.subi %sign3A_4, %sign3A_7 : i32
    %sign3A_9 = arith.constant 0 : i32
    %sign3A_10 = arith.cmpi sgt, %jit3A, %sign3A_9 : i32
    %sign3A_11 = arith.extui %sign3A_10 : i1 to i32
    %sign3A_12 = arith.constant 0 : i32
    %sign3A_13 = arith.cmpi slt, %jit3A, %sign3A_12 : i32
    %sign3A_14 = arith.extui %sign3A_13 : i1 to i32
    %sign3A_15 = arith.subi %sign3A_11, %sign3A_14 : i32
    %ne3A = arith.cmpi ne, %sign3A_8, %sign3A_15 : i32
    %rem3A = arith.remsi %get3A_2, %jit3A : i32
    %ne3A_16 = arith.constant 0 : i32
    %ne3A_17 = arith.cmpi ne, %rem3A, %ne3A_16 : i32
    %and3A = arith.andi %ne3A, %ne3A_17 : i1
    %sub3A = arith.constant 1 : i32
    %sub3A_18 = arith.subi %div3A, %sub3A : i32
    %select_n3A = arith.select %and3A, %sub3A_18, %div3A : i32
    %c0_i32 = arith.constant 0 : i32
    return %arg0, %select_n3A : i32, i32
  }
  func.func @transform_21(%arg0: i32, %arg1: memref<1024xi32, #tpu.memory_space<smem>>) -> (i32, i32) {
    %mul3A = arith.constant 32 : i32
    %mul3A_0 = arith.muli %arg0, %mul3A : i32
    %add3A = arith.constant 20 : i32
    %add3A_1 = arith.addi %mul3A_0, %add3A : i32
    %get3A = arith.index_cast %add3A_1 : i32 to index
    %get3A_2 = memref.load %arg1[%get3A] : memref<1024xi32, #tpu.memory_space<smem>>
    %jit3A = arith.constant 128 : i32
    %div3A = arith.divsi %get3A_2, %jit3A : i32
    %sign3A = arith.constant 0 : i32
    %sign3A_3 = arith.cmpi sgt, %get3A_2, %sign3A : i32
    %sign3A_4 = arith.extui %sign3A_3 : i1 to i32
    %sign3A_5 = arith.constant 0 : i32
    %sign3A_6 = arith.cmpi slt, %get3A_2, %sign3A_5 : i32
    %sign3A_7 = arith.extui %sign3A_6 : i1 to i32
    %sign3A_8 = arith.subi %sign3A_4, %sign3A_7 : i32
    %sign3A_9 = arith.constant 0 : i32
    %sign3A_10 = arith.cmpi sgt, %jit3A, %sign3A_9 : i32
    %sign3A_11 = arith.extui %sign3A_10 : i1 to i32
    %sign3A_12 = arith.constant 0 : i32
    %sign3A_13 = arith.cmpi slt, %jit3A, %sign3A_12 : i32
    %sign3A_14 = arith.extui %sign3A_13 : i1 to i32
    %sign3A_15 = arith.subi %sign3A_11, %sign3A_14 : i32
    %ne3A = arith.cmpi ne, %sign3A_8, %sign3A_15 : i32
    %rem3A = arith.remsi %get3A_2, %jit3A : i32
    %ne3A_16 = arith.constant 0 : i32
    %ne3A_17 = arith.cmpi ne, %rem3A, %ne3A_16 : i32
    %and3A = arith.andi %ne3A, %ne3A_17 : i1
    %sub3A = arith.constant 1 : i32
    %sub3A_18 = arith.subi %div3A, %sub3A : i32
    %select_n3A = arith.select %and3A, %sub3A_18, %div3A : i32
    %c0_i32 = arith.constant 0 : i32
    return %arg0, %select_n3A : i32, i32
  }
  func.func @transform_22(%arg0: i32, %arg1: memref<1024xi32, #tpu.memory_space<smem>>) -> (i32, i32) {
    %mul3A = arith.constant 32 : i32
    %mul3A_0 = arith.muli %arg0, %mul3A : i32
    %add3A = arith.constant 21 : i32
    %add3A_1 = arith.addi %mul3A_0, %add3A : i32
    %get3A = arith.index_cast %add3A_1 : i32 to index
    %get3A_2 = memref.load %arg1[%get3A] : memref<1024xi32, #tpu.memory_space<smem>>
    %jit3A = arith.constant 128 : i32
    %div3A = arith.divsi %get3A_2, %jit3A : i32
    %sign3A = arith.constant 0 : i32
    %sign3A_3 = arith.cmpi sgt, %get3A_2, %sign3A : i32
    %sign3A_4 = arith.extui %sign3A_3 : i1 to i32
    %sign3A_5 = arith.constant 0 : i32
    %sign3A_6 = arith.cmpi slt, %get3A_2, %sign3A_5 : i32
    %sign3A_7 = arith.extui %sign3A_6 : i1 to i32
    %sign3A_8 = arith.subi %sign3A_4, %sign3A_7 : i32
    %sign3A_9 = arith.constant 0 : i32
    %sign3A_10 = arith.cmpi sgt, %jit3A, %sign3A_9 : i32
    %sign3A_11 = arith.extui %sign3A_10 : i1 to i32
    %sign3A_12 = arith.constant 0 : i32
    %sign3A_13 = arith.cmpi slt, %jit3A, %sign3A_12 : i32
    %sign3A_14 = arith.extui %sign3A_13 : i1 to i32
    %sign3A_15 = arith.subi %sign3A_11, %sign3A_14 : i32
    %ne3A = arith.cmpi ne, %sign3A_8, %sign3A_15 : i32
    %rem3A = arith.remsi %get3A_2, %jit3A : i32
    %ne3A_16 = arith.constant 0 : i32
    %ne3A_17 = arith.cmpi ne, %rem3A, %ne3A_16 : i32
    %and3A = arith.andi %ne3A, %ne3A_17 : i1
    %sub3A = arith.constant 1 : i32
    %sub3A_18 = arith.subi %div3A, %sub3A : i32
    %select_n3A = arith.select %and3A, %sub3A_18, %div3A : i32
    %c0_i32 = arith.constant 0 : i32
    return %arg0, %select_n3A : i32, i32
  }
  func.func @transform_23(%arg0: i32, %arg1: memref<1024xi32, #tpu.memory_space<smem>>) -> (i32, i32) {
    %mul3A = arith.constant 32 : i32
    %mul3A_0 = arith.muli %arg0, %mul3A : i32
    %add3A = arith.constant 22 : i32
    %add3A_1 = arith.addi %mul3A_0, %add3A : i32
    %get3A = arith.index_cast %add3A_1 : i32 to index
    %get3A_2 = memref.load %arg1[%get3A] : memref<1024xi32, #tpu.memory_space<smem>>
    %jit3A = arith.constant 128 : i32
    %div3A = arith.divsi %get3A_2, %jit3A : i32
    %sign3A = arith.constant 0 : i32
    %sign3A_3 = arith.cmpi sgt, %get3A_2, %sign3A : i32
    %sign3A_4 = arith.extui %sign3A_3 : i1 to i32
    %sign3A_5 = arith.constant 0 : i32
    %sign3A_6 = arith.cmpi slt, %get3A_2, %sign3A_5 : i32
    %sign3A_7 = arith.extui %sign3A_6 : i1 to i32
    %sign3A_8 = arith.subi %sign3A_4, %sign3A_7 : i32
    %sign3A_9 = arith.constant 0 : i32
    %sign3A_10 = arith.cmpi sgt, %jit3A, %sign3A_9 : i32
    %sign3A_11 = arith.extui %sign3A_10 : i1 to i32
    %sign3A_12 = arith.constant 0 : i32
    %sign3A_13 = arith.cmpi slt, %jit3A, %sign3A_12 : i32
    %sign3A_14 = arith.extui %sign3A_13 : i1 to i32
    %sign3A_15 = arith.subi %sign3A_11, %sign3A_14 : i32
    %ne3A = arith.cmpi ne, %sign3A_8, %sign3A_15 : i32
    %rem3A = arith.remsi %get3A_2, %jit3A : i32
    %ne3A_16 = arith.constant 0 : i32
    %ne3A_17 = arith.cmpi ne, %rem3A, %ne3A_16 : i32
    %and3A = arith.andi %ne3A, %ne3A_17 : i1
    %sub3A = arith.constant 1 : i32
    %sub3A_18 = arith.subi %div3A, %sub3A : i32
    %select_n3A = arith.select %and3A, %sub3A_18, %div3A : i32
    %c0_i32 = arith.constant 0 : i32
    return %arg0, %select_n3A : i32, i32
  }
  func.func @transform_24(%arg0: i32, %arg1: memref<1024xi32, #tpu.memory_space<smem>>) -> (i32, i32) {
    %mul3A = arith.constant 32 : i32
    %mul3A_0 = arith.muli %arg0, %mul3A : i32
    %add3A = arith.constant 23 : i32
    %add3A_1 = arith.addi %mul3A_0, %add3A : i32
    %get3A = arith.index_cast %add3A_1 : i32 to index
    %get3A_2 = memref.load %arg1[%get3A] : memref<1024xi32, #tpu.memory_space<smem>>
    %jit3A = arith.constant 128 : i32
    %div3A = arith.divsi %get3A_2, %jit3A : i32
    %sign3A = arith.constant 0 : i32
    %sign3A_3 = arith.cmpi sgt, %get3A_2, %sign3A : i32
    %sign3A_4 = arith.extui %sign3A_3 : i1 to i32
    %sign3A_5 = arith.constant 0 : i32
    %sign3A_6 = arith.cmpi slt, %get3A_2, %sign3A_5 : i32
    %sign3A_7 = arith.extui %sign3A_6 : i1 to i32
    %sign3A_8 = arith.subi %sign3A_4, %sign3A_7 : i32
    %sign3A_9 = arith.constant 0 : i32
    %sign3A_10 = arith.cmpi sgt, %jit3A, %sign3A_9 : i32
    %sign3A_11 = arith.extui %sign3A_10 : i1 to i32
    %sign3A_12 = arith.constant 0 : i32
    %sign3A_13 = arith.cmpi slt, %jit3A, %sign3A_12 : i32
    %sign3A_14 = arith.extui %sign3A_13 : i1 to i32
    %sign3A_15 = arith.subi %sign3A_11, %sign3A_14 : i32
    %ne3A = arith.cmpi ne, %sign3A_8, %sign3A_15 : i32
    %rem3A = arith.remsi %get3A_2, %jit3A : i32
    %ne3A_16 = arith.constant 0 : i32
    %ne3A_17 = arith.cmpi ne, %rem3A, %ne3A_16 : i32
    %and3A = arith.andi %ne3A, %ne3A_17 : i1
    %sub3A = arith.constant 1 : i32
    %sub3A_18 = arith.subi %div3A, %sub3A : i32
    %select_n3A = arith.select %and3A, %sub3A_18, %div3A : i32
    %c0_i32 = arith.constant 0 : i32
    return %arg0, %select_n3A : i32, i32
  }
  func.func @transform_25(%arg0: i32, %arg1: memref<1024xi32, #tpu.memory_space<smem>>) -> (i32, i32) {
    %mul3A = arith.constant 32 : i32
    %mul3A_0 = arith.muli %arg0, %mul3A : i32
    %add3A = arith.constant 24 : i32
    %add3A_1 = arith.addi %mul3A_0, %add3A : i32
    %get3A = arith.index_cast %add3A_1 : i32 to index
    %get3A_2 = memref.load %arg1[%get3A] : memref<1024xi32, #tpu.memory_space<smem>>
    %jit3A = arith.constant 128 : i32
    %div3A = arith.divsi %get3A_2, %jit3A : i32
    %sign3A = arith.constant 0 : i32
    %sign3A_3 = arith.cmpi sgt, %get3A_2, %sign3A : i32
    %sign3A_4 = arith.extui %sign3A_3 : i1 to i32
    %sign3A_5 = arith.constant 0 : i32
    %sign3A_6 = arith.cmpi slt, %get3A_2, %sign3A_5 : i32
    %sign3A_7 = arith.extui %sign3A_6 : i1 to i32
    %sign3A_8 = arith.subi %sign3A_4, %sign3A_7 : i32
    %sign3A_9 = arith.constant 0 : i32
    %sign3A_10 = arith.cmpi sgt, %jit3A, %sign3A_9 : i32
    %sign3A_11 = arith.extui %sign3A_10 : i1 to i32
    %sign3A_12 = arith.constant 0 : i32
    %sign3A_13 = arith.cmpi slt, %jit3A, %sign3A_12 : i32
    %sign3A_14 = arith.extui %sign3A_13 : i1 to i32
    %sign3A_15 = arith.subi %sign3A_11, %sign3A_14 : i32
    %ne3A = arith.cmpi ne, %sign3A_8, %sign3A_15 : i32
    %rem3A = arith.remsi %get3A_2, %jit3A : i32
    %ne3A_16 = arith.constant 0 : i32
    %ne3A_17 = arith.cmpi ne, %rem3A, %ne3A_16 : i32
    %and3A = arith.andi %ne3A, %ne3A_17 : i1
    %sub3A = arith.constant 1 : i32
    %sub3A_18 = arith.subi %div3A, %sub3A : i32
    %select_n3A = arith.select %and3A, %sub3A_18, %div3A : i32
    %c0_i32 = arith.constant 0 : i32
    return %arg0, %select_n3A : i32, i32
  }
  func.func @transform_26(%arg0: i32, %arg1: memref<1024xi32, #tpu.memory_space<smem>>) -> (i32, i32) {
    %mul3A = arith.constant 32 : i32
    %mul3A_0 = arith.muli %arg0, %mul3A : i32
    %add3A = arith.constant 25 : i32
    %add3A_1 = arith.addi %mul3A_0, %add3A : i32
    %get3A = arith.index_cast %add3A_1 : i32 to index
    %get3A_2 = memref.load %arg1[%get3A] : memref<1024xi32, #tpu.memory_space<smem>>
    %jit3A = arith.constant 128 : i32
    %div3A = arith.divsi %get3A_2, %jit3A : i32
    %sign3A = arith.constant 0 : i32
    %sign3A_3 = arith.cmpi sgt, %get3A_2, %sign3A : i32
    %sign3A_4 = arith.extui %sign3A_3 : i1 to i32
    %sign3A_5 = arith.constant 0 : i32
    %sign3A_6 = arith.cmpi slt, %get3A_2, %sign3A_5 : i32
    %sign3A_7 = arith.extui %sign3A_6 : i1 to i32
    %sign3A_8 = arith.subi %sign3A_4, %sign3A_7 : i32
    %sign3A_9 = arith.constant 0 : i32
    %sign3A_10 = arith.cmpi sgt, %jit3A, %sign3A_9 : i32
    %sign3A_11 = arith.extui %sign3A_10 : i1 to i32
    %sign3A_12 = arith.constant 0 : i32
    %sign3A_13 = arith.cmpi slt, %jit3A, %sign3A_12 : i32
    %sign3A_14 = arith.extui %sign3A_13 : i1 to i32
    %sign3A_15 = arith.subi %sign3A_11, %sign3A_14 : i32
    %ne3A = arith.cmpi ne, %sign3A_8, %sign3A_15 : i32
    %rem3A = arith.remsi %get3A_2, %jit3A : i32
    %ne3A_16 = arith.constant 0 : i32
    %ne3A_17 = arith.cmpi ne, %rem3A, %ne3A_16 : i32
    %and3A = arith.andi %ne3A, %ne3A_17 : i1
    %sub3A = arith.constant 1 : i32
    %sub3A_18 = arith.subi %div3A, %sub3A : i32
    %select_n3A = arith.select %and3A, %sub3A_18, %div3A : i32
    %c0_i32 = arith.constant 0 : i32
    return %arg0, %select_n3A : i32, i32
  }
  func.func @transform_27(%arg0: i32, %arg1: memref<1024xi32, #tpu.memory_space<smem>>) -> (i32, i32) {
    %mul3A = arith.constant 32 : i32
    %mul3A_0 = arith.muli %arg0, %mul3A : i32
    %add3A = arith.constant 26 : i32
    %add3A_1 = arith.addi %mul3A_0, %add3A : i32
    %get3A = arith.index_cast %add3A_1 : i32 to index
    %get3A_2 = memref.load %arg1[%get3A] : memref<1024xi32, #tpu.memory_space<smem>>
    %jit3A = arith.constant 128 : i32
    %div3A = arith.divsi %get3A_2, %jit3A : i32
    %sign3A = arith.constant 0 : i32
    %sign3A_3 = arith.cmpi sgt, %get3A_2, %sign3A : i32
    %sign3A_4 = arith.extui %sign3A_3 : i1 to i32
    %sign3A_5 = arith.constant 0 : i32
    %sign3A_6 = arith.cmpi slt, %get3A_2, %sign3A_5 : i32
    %sign3A_7 = arith.extui %sign3A_6 : i1 to i32
    %sign3A_8 = arith.subi %sign3A_4, %sign3A_7 : i32
    %sign3A_9 = arith.constant 0 : i32
    %sign3A_10 = arith.cmpi sgt, %jit3A, %sign3A_9 : i32
    %sign3A_11 = arith.extui %sign3A_10 : i1 to i32
    %sign3A_12 = arith.constant 0 : i32
    %sign3A_13 = arith.cmpi slt, %jit3A, %sign3A_12 : i32
    %sign3A_14 = arith.extui %sign3A_13 : i1 to i32
    %sign3A_15 = arith.subi %sign3A_11, %sign3A_14 : i32
    %ne3A = arith.cmpi ne, %sign3A_8, %sign3A_15 : i32
    %rem3A = arith.remsi %get3A_2, %jit3A : i32
    %ne3A_16 = arith.constant 0 : i32
    %ne3A_17 = arith.cmpi ne, %rem3A, %ne3A_16 : i32
    %and3A = arith.andi %ne3A, %ne3A_17 : i1
    %sub3A = arith.constant 1 : i32
    %sub3A_18 = arith.subi %div3A, %sub3A : i32
    %select_n3A = arith.select %and3A, %sub3A_18, %div3A : i32
    %c0_i32 = arith.constant 0 : i32
    return %arg0, %select_n3A : i32, i32
  }
  func.func @transform_28(%arg0: i32, %arg1: memref<1024xi32, #tpu.memory_space<smem>>) -> (i32, i32) {
    %mul3A = arith.constant 32 : i32
    %mul3A_0 = arith.muli %arg0, %mul3A : i32
    %add3A = arith.constant 27 : i32
    %add3A_1 = arith.addi %mul3A_0, %add3A : i32
    %get3A = arith.index_cast %add3A_1 : i32 to index
    %get3A_2 = memref.load %arg1[%get3A] : memref<1024xi32, #tpu.memory_space<smem>>
    %jit3A = arith.constant 128 : i32
    %div3A = arith.divsi %get3A_2, %jit3A : i32
    %sign3A = arith.constant 0 : i32
    %sign3A_3 = arith.cmpi sgt, %get3A_2, %sign3A : i32
    %sign3A_4 = arith.extui %sign3A_3 : i1 to i32
    %sign3A_5 = arith.constant 0 : i32
    %sign3A_6 = arith.cmpi slt, %get3A_2, %sign3A_5 : i32
    %sign3A_7 = arith.extui %sign3A_6 : i1 to i32
    %sign3A_8 = arith.subi %sign3A_4, %sign3A_7 : i32
    %sign3A_9 = arith.constant 0 : i32
    %sign3A_10 = arith.cmpi sgt, %jit3A, %sign3A_9 : i32
    %sign3A_11 = arith.extui %sign3A_10 : i1 to i32
    %sign3A_12 = arith.constant 0 : i32
    %sign3A_13 = arith.cmpi slt, %jit3A, %sign3A_12 : i32
    %sign3A_14 = arith.extui %sign3A_13 : i1 to i32
    %sign3A_15 = arith.subi %sign3A_11, %sign3A_14 : i32
    %ne3A = arith.cmpi ne, %sign3A_8, %sign3A_15 : i32
    %rem3A = arith.remsi %get3A_2, %jit3A : i32
    %ne3A_16 = arith.constant 0 : i32
    %ne3A_17 = arith.cmpi ne, %rem3A, %ne3A_16 : i32
    %and3A = arith.andi %ne3A, %ne3A_17 : i1
    %sub3A = arith.constant 1 : i32
    %sub3A_18 = arith.subi %div3A, %sub3A : i32
    %select_n3A = arith.select %and3A, %sub3A_18, %div3A : i32
    %c0_i32 = arith.constant 0 : i32
    return %arg0, %select_n3A : i32, i32
  }
  func.func @transform_29(%arg0: i32, %arg1: memref<1024xi32, #tpu.memory_space<smem>>) -> (i32, i32) {
    %mul3A = arith.constant 32 : i32
    %mul3A_0 = arith.muli %arg0, %mul3A : i32
    %add3A = arith.constant 28 : i32
    %add3A_1 = arith.addi %mul3A_0, %add3A : i32
    %get3A = arith.index_cast %add3A_1 : i32 to index
    %get3A_2 = memref.load %arg1[%get3A] : memref<1024xi32, #tpu.memory_space<smem>>
    %jit3A = arith.constant 128 : i32
    %div3A = arith.divsi %get3A_2, %jit3A : i32
    %sign3A = arith.constant 0 : i32
    %sign3A_3 = arith.cmpi sgt, %get3A_2, %sign3A : i32
    %sign3A_4 = arith.extui %sign3A_3 : i1 to i32
    %sign3A_5 = arith.constant 0 : i32
    %sign3A_6 = arith.cmpi slt, %get3A_2, %sign3A_5 : i32
    %sign3A_7 = arith.extui %sign3A_6 : i1 to i32
    %sign3A_8 = arith.subi %sign3A_4, %sign3A_7 : i32
    %sign3A_9 = arith.constant 0 : i32
    %sign3A_10 = arith.cmpi sgt, %jit3A, %sign3A_9 : i32
    %sign3A_11 = arith.extui %sign3A_10 : i1 to i32
    %sign3A_12 = arith.constant 0 : i32
    %sign3A_13 = arith.cmpi slt, %jit3A, %sign3A_12 : i32
    %sign3A_14 = arith.extui %sign3A_13 : i1 to i32
    %sign3A_15 = arith.subi %sign3A_11, %sign3A_14 : i32
    %ne3A = arith.cmpi ne, %sign3A_8, %sign3A_15 : i32
    %rem3A = arith.remsi %get3A_2, %jit3A : i32
    %ne3A_16 = arith.constant 0 : i32
    %ne3A_17 = arith.cmpi ne, %rem3A, %ne3A_16 : i32
    %and3A = arith.andi %ne3A, %ne3A_17 : i1
    %sub3A = arith.constant 1 : i32
    %sub3A_18 = arith.subi %div3A, %sub3A : i32
    %select_n3A = arith.select %and3A, %sub3A_18, %div3A : i32
    %c0_i32 = arith.constant 0 : i32
    return %arg0, %select_n3A : i32, i32
  }
  func.func @transform_30(%arg0: i32, %arg1: memref<1024xi32, #tpu.memory_space<smem>>) -> (i32, i32) {
    %mul3A = arith.constant 32 : i32
    %mul3A_0 = arith.muli %arg0, %mul3A : i32
    %add3A = arith.constant 29 : i32
    %add3A_1 = arith.addi %mul3A_0, %add3A : i32
    %get3A = arith.index_cast %add3A_1 : i32 to index
    %get3A_2 = memref.load %arg1[%get3A] : memref<1024xi32, #tpu.memory_space<smem>>
    %jit3A = arith.constant 128 : i32
    %div3A = arith.divsi %get3A_2, %jit3A : i32
    %sign3A = arith.constant 0 : i32
    %sign3A_3 = arith.cmpi sgt, %get3A_2, %sign3A : i32
    %sign3A_4 = arith.extui %sign3A_3 : i1 to i32
    %sign3A_5 = arith.constant 0 : i32
    %sign3A_6 = arith.cmpi slt, %get3A_2, %sign3A_5 : i32
    %sign3A_7 = arith.extui %sign3A_6 : i1 to i32
    %sign3A_8 = arith.subi %sign3A_4, %sign3A_7 : i32
    %sign3A_9 = arith.constant 0 : i32
    %sign3A_10 = arith.cmpi sgt, %jit3A, %sign3A_9 : i32
    %sign3A_11 = arith.extui %sign3A_10 : i1 to i32
    %sign3A_12 = arith.constant 0 : i32
    %sign3A_13 = arith.cmpi slt, %jit3A, %sign3A_12 : i32
    %sign3A_14 = arith.extui %sign3A_13 : i1 to i32
    %sign3A_15 = arith.subi %sign3A_11, %sign3A_14 : i32
    %ne3A = arith.cmpi ne, %sign3A_8, %sign3A_15 : i32
    %rem3A = arith.remsi %get3A_2, %jit3A : i32
    %ne3A_16 = arith.constant 0 : i32
    %ne3A_17 = arith.cmpi ne, %rem3A, %ne3A_16 : i32
    %and3A = arith.andi %ne3A, %ne3A_17 : i1
    %sub3A = arith.constant 1 : i32
    %sub3A_18 = arith.subi %div3A, %sub3A : i32
    %select_n3A = arith.select %and3A, %sub3A_18, %div3A : i32
    %c0_i32 = arith.constant 0 : i32
    return %arg0, %select_n3A : i32, i32
  }
  func.func @transform_31(%arg0: i32, %arg1: memref<1024xi32, #tpu.memory_space<smem>>) -> (i32, i32) {
    %mul3A = arith.constant 32 : i32
    %mul3A_0 = arith.muli %arg0, %mul3A : i32
    %add3A = arith.constant 30 : i32
    %add3A_1 = arith.addi %mul3A_0, %add3A : i32
    %get3A = arith.index_cast %add3A_1 : i32 to index
    %get3A_2 = memref.load %arg1[%get3A] : memref<1024xi32, #tpu.memory_space<smem>>
    %jit3A = arith.constant 128 : i32
    %div3A = arith.divsi %get3A_2, %jit3A : i32
    %sign3A = arith.constant 0 : i32
    %sign3A_3 = arith.cmpi sgt, %get3A_2, %sign3A : i32
    %sign3A_4 = arith.extui %sign3A_3 : i1 to i32
    %sign3A_5 = arith.constant 0 : i32
    %sign3A_6 = arith.cmpi slt, %get3A_2, %sign3A_5 : i32
    %sign3A_7 = arith.extui %sign3A_6 : i1 to i32
    %sign3A_8 = arith.subi %sign3A_4, %sign3A_7 : i32
    %sign3A_9 = arith.constant 0 : i32
    %sign3A_10 = arith.cmpi sgt, %jit3A, %sign3A_9 : i32
    %sign3A_11 = arith.extui %sign3A_10 : i1 to i32
    %sign3A_12 = arith.constant 0 : i32
    %sign3A_13 = arith.cmpi slt, %jit3A, %sign3A_12 : i32
    %sign3A_14 = arith.extui %sign3A_13 : i1 to i32
    %sign3A_15 = arith.subi %sign3A_11, %sign3A_14 : i32
    %ne3A = arith.cmpi ne, %sign3A_8, %sign3A_15 : i32
    %rem3A = arith.remsi %get3A_2, %jit3A : i32
    %ne3A_16 = arith.constant 0 : i32
    %ne3A_17 = arith.cmpi ne, %rem3A, %ne3A_16 : i32
    %and3A = arith.andi %ne3A, %ne3A_17 : i1
    %sub3A = arith.constant 1 : i32
    %sub3A_18 = arith.subi %div3A, %sub3A : i32
    %select_n3A = arith.select %and3A, %sub3A_18, %div3A : i32
    %c0_i32 = arith.constant 0 : i32
    return %arg0, %select_n3A : i32, i32
  }
  func.func @transform_32(%arg0: i32, %arg1: memref<1024xi32, #tpu.memory_space<smem>>) -> (i32, i32) {
    %mul3A = arith.constant 32 : i32
    %mul3A_0 = arith.muli %arg0, %mul3A : i32
    %add3A = arith.constant 31 : i32
    %add3A_1 = arith.addi %mul3A_0, %add3A : i32
    %get3A = arith.index_cast %add3A_1 : i32 to index
    %get3A_2 = memref.load %arg1[%get3A] : memref<1024xi32, #tpu.memory_space<smem>>
    %jit3A = arith.constant 128 : i32
    %div3A = arith.divsi %get3A_2, %jit3A : i32
    %sign3A = arith.constant 0 : i32
    %sign3A_3 = arith.cmpi sgt, %get3A_2, %sign3A : i32
    %sign3A_4 = arith.extui %sign3A_3 : i1 to i32
    %sign3A_5 = arith.constant 0 : i32
    %sign3A_6 = arith.cmpi slt, %get3A_2, %sign3A_5 : i32
    %sign3A_7 = arith.extui %sign3A_6 : i1 to i32
    %sign3A_8 = arith.subi %sign3A_4, %sign3A_7 : i32
    %sign3A_9 = arith.constant 0 : i32
    %sign3A_10 = arith.cmpi sgt, %jit3A, %sign3A_9 : i32
    %sign3A_11 = arith.extui %sign3A_10 : i1 to i32
    %sign3A_12 = arith.constant 0 : i32
    %sign3A_13 = arith.cmpi slt, %jit3A, %sign3A_12 : i32
    %sign3A_14 = arith.extui %sign3A_13 : i1 to i32
    %sign3A_15 = arith.subi %sign3A_11, %sign3A_14 : i32
    %ne3A = arith.cmpi ne, %sign3A_8, %sign3A_15 : i32
    %rem3A = arith.remsi %get3A_2, %jit3A : i32
    %ne3A_16 = arith.constant 0 : i32
    %ne3A_17 = arith.cmpi ne, %rem3A, %ne3A_16 : i32
    %and3A = arith.andi %ne3A, %ne3A_17 : i1
    %sub3A = arith.constant 1 : i32
    %sub3A_18 = arith.subi %div3A, %sub3A : i32
    %select_n3A = arith.select %and3A, %sub3A_18, %div3A : i32
    %c0_i32 = arith.constant 0 : i32
    return %arg0, %select_n3A : i32, i32
  }
  func.func @transform_33(%arg0: i32, %arg1: memref<1024xi32, #tpu.memory_space<smem>>) -> (i32, i32, i32) {
    %c0_i32 = arith.constant 0 : i32
    %c0_i32_0 = arith.constant 0 : i32
    %c0_i32_1 = arith.constant 0 : i32
    return %arg0, %c0_i32, %c0_i32_0 : i32, i32, i32
  }
  func.func @transform_34(%arg0: i32, %arg1: memref<1024xi32, #tpu.memory_space<smem>>) -> (i32, i32, i32) {
    %c0_i32 = arith.constant 0 : i32
    %c0_i32_0 = arith.constant 0 : i32
    %c0_i32_1 = arith.constant 0 : i32
    return %arg0, %c0_i32, %c0_i32_0 : i32, i32, i32
  }
}

module attributes {stable_mosaic.version = 14 : i64} {
  func.func @_pass2_kernel(%arg0: i32, %arg1: memref<1xf32, #tpu.memory_space<smem>>, %arg2: memref<32x100000xf32, #tpu.memory_space<vmem>>, %arg3: memref<1x1x32xf32, #tpu.memory_space<vmem>>) attributes {dimension_semantics = [#tpu.dimension_semantics<arbitrary>], iteration_bounds = array<i64: 32>, scalar_prefetch = 0 : i64, scratch_operands = 0 : i64, tpu.core_type = #tpu.core_type<tc>, window_params = [{transform_indices = @transform_0, window_bounds = array<i64: 1>}, {transform_indices = @transform_1, window_bounds = array<i64: 32, 100000>}, {transform_indices = @transform_2, window_bounds = array<i64: 1, 1, 32>}]} {
    %get3A = arith.constant 0 : index
    %get3A_0 = arith.constant 0 : index
    %get3A_1 = vector.load %arg2[%get3A, %get3A_0] : memref<32x100000xf32, #tpu.memory_space<vmem>>, vector<32x100000xf32>
    %get3A_2 = arith.constant 0 : index
    %get3A_3 = memref.load %arg1[%get3A_2] : memref<1xf32, #tpu.memory_space<smem>>
    %mul3A = vector.broadcast %get3A_3 : f32 to vector<32x100000xf32>
    %mul3A_4 = arith.mulf %get3A_1, %mul3A : vector<32x100000xf32>
    %exp3A = math.exp %mul3A_4 : vector<32x100000xf32>
    %reduce_sum3A = arith.constant dense<0.000000e+00> : vector<32xf32>
    %reduce_sum3A_5 = vector.multi_reduction <add>, %exp3A, %reduce_sum3A [1] : vector<32x100000xf32> to vector<32xf32>
    %reshape3A = vector.shape_cast %reduce_sum3A_5 : vector<32xf32> to vector<1x1x32xf32>
    %swap3A = arith.constant 0 : index
    %swap3A_6 = arith.constant 0 : index
    %swap3A_7 = arith.constant 0 : index
    %swap3A_8 = vector.load %arg3[%swap3A, %swap3A_6, %swap3A_7] : memref<1x1x32xf32, #tpu.memory_space<vmem>>, vector<1x1x32xf32>
    tpu.vector_store %arg3[%swap3A, %swap3A_6, %swap3A_7], %reshape3A {strides = array<i32>} : memref<1x1x32xf32, #tpu.memory_space<vmem>>, vector<1x1x32xf32>,
    return
  }
  func.func @transform_0(%arg0: i32) -> i32 {
    %c0_i32 = arith.constant 0 : i32
    %c0_i32_0 = arith.constant 0 : i32
    return %c0_i32 : i32
  }
  func.func @transform_1(%arg0: i32) -> (i32, i32) {
    %c0_i32 = arith.constant 0 : i32
    %c0_i32_0 = arith.constant 0 : i32
    return %arg0, %c0_i32 : i32, i32
  }
  func.func @transform_2(%arg0: i32) -> (i32, i32, i32) {
    %c0_i32 = arith.constant 0 : i32
    %c0_i32_0 = arith.constant 0 : i32
    %c0_i32_1 = arith.constant 0 : i32
    return %arg0, %c0_i32, %c0_i32_0 : i32, i32, i32
  }
}

</mosaic_0001>

<sc_bundles>
// kernel: kernel.4.cloned.1.call-start
scs
__scs_entry_jumppad:
0x0: {  	(pc) =	sbr.rel $0x88, $3  }
0x1: {  	(tag) =	ssettag $0x0;
	lr =	simm.s32 $0x1  }
0x2: {  	[smem:$0x3F9F] =	sst lr;
	_ =	strace $0xD0000000  }
0x3: {  	_ = 	snop  }
0x4: {  	_ = 	snop  }
0x5: {  	_ = 	snop  }
0x6: {  	_ = 	snop  }
0x7: {  	_ = 	snop  }
__scs_overlays_trampoline_lowered:
0x8: {  	[smem:$0x3FAE] =	sst s0  }
0x9: {  	[smem:$0x3FAF] =	sst s1  }
0xa: {  	[smem:$0x3FB0] =	sst s2  }
0xb: {  	[smem:$0x3FB1] =	sst s3  }
0xc: {  	[smem:$0x3FB2] =	sst s4  }
0xd: {  	[smem:$0x3FB3] =	sst s5  }
0xe: {  	[smem:$0x3FB4] =	sst s6  }
0xf: {  	[smem:$0x3FB5] =	sst s7  }
0x10: {  	[smem:$0x3FB6] =	sst s8  }
0x11: {  	[smem:$0x3FB7] =	sst s9;
	s0 =	simm.s32 @!p0 $0x0  }
0x12: {  	s1 =	sld [smem:$0x3F9D];
	s0 =	simm.s32 @p0 $0x1  }
0x13: {  	[smem:$0x3FB8] =	sst s0;
	s0 =	simm.s32 @!p1 $0x0  }
0x14: {  	s2 =	sld [smem:$0x3F9C];
	s0 =	simm.s32 @p1 $0x1  }
0x15: {  	[smem:$0x3FB9] =	sst s0;
	s0 =	simm.s32 @!p2 $0x0  }
0x16: {  	s3 =	sld [smem:$0x3FDB];
	s0 =	simm.s32 @p2 $0x1  }
0x17: {  	s4 =	simm.s32 $0x1BF5;
	[smem:$0x3FBB] =	sst s0  }
0x18: {  	s0 =	sld [smem:$0x3F9E];
	_ =	swait.ge [sflag:s4], $0x0  }
0x19: {  	s7 =	sld [smem:$0x3F9F]  }
0x1a: {  	s8 =	sadd.s32 $0xFFFFE003, lr  }
0x1b: {  	s9 =	sadd.s32 $0xFFFFFEF7, lr;
	s5 =	simm.s32 $0xFFFFFFFF;
	p2 =	slt.u32 s8, $0xFFFFF086  }
0x1c: {  	p1 =	slt.u32 s9, $0xF7A;
	s5 =	simm.s32 @!p2 $0x0  }
0x1d: {  	s5 =	simm.s32 @p1 $0x1;
	p0 =	seq.s32 s7, s2  }
0x1e: {  	s7 =	smul.u32 @!p0 $0xF7A, s2;
	p2 =	seq.s32 @!p0 s5, $0x0  }
0x1f: {  	s9 =	smul.u32 $0xF7A, s1;
	s8 =	simm.s32 @!p0 $0x1BF5;
	p2 =	por !p2, p0  }
0x20: {  	[sflag:s8] =	ssyncset.s32 @!p0 $0xFFFFF086;
	s6 =	sadd.s32 @!p0 s3, s7;
	s7 =	simm.s32 @!p0 $0x108  }
0x21: {  	s3 =	sadd.s32 s3, s9;
	s6 =	sadd.s32 @!p0 $0x88, s6;
	s7 =	simm.s32 @p2 $0x1082  }
0x22: {  	[simem:s7], [sflag:s8] =	dma.local @!p0 [hbm:s6], $0xF7A  }
0x23: {  	s9 =	sor.u32 $0xD0000000, s2;
	s6 =	simm.s32 $0x108;
	_ =	swait.ge @!p0 [sflag:s8], $0x0  }
0x24: {  	s3 =	sadd.s32 $0x88, s3;
	s6 =	simm.s32 @!p1 $0x1082;
	[sflag:s4] =	ssyncset.s32 $0xFFFFF086  }
0x25: {  	[simem:s6], [sflag:s4] =	dma.local [hbm:s3], $0xF7A  }
0x26: {  	[smem:$0x3F9F] =	sst s1;
	(tag) =	ssettag s2;
	_ =	strace s9  }
0x27: {  	s1 =	sld [smem:$0x3FAF]  }
0x28: {  	s2 =	sld [smem:$0x3FB0]  }
0x29: {  	s4 =	sld [smem:$0x3FB2]  }
0x2a: {  	p0 =	seq.s32 s5, $0x0;
	s5 =	sld [smem:$0x3FB3]  }
0x2b: {  	s6 =	sld [smem:$0x3FB4]  }
0x2c: {  	s7 =	sld [smem:$0x3FB5]  }
0x2d: {  	s3 =	simm.s32 $0x108;
	s8 =	sld [smem:$0x3FB6]  }
0x2e: {  	s3 =	simm.s32 @!p0 $0x1082;
	s9 =	sld [smem:$0x3FB7]  }
0x2f: {  	lr =	sadd.s32 s0, s3;
	s0 =	sld [smem:$0x3FAE]  }
0x30: {  	s3 =	sld [smem:$0x3FB1]  }
0x31: {  	[smem:$0x3FBA] =	sst s10  }
0x32: {  	s10 =	sld [smem:$0x3FB8];
	_ =	sdelay $0x3  }
0x33: {  	p0 =	seq.s32 s10, $0x1;
	s10 =	sld [smem:$0x3FBA];
	_ =	sdelay $0x3  }
0x34: {  	[smem:$0x3FBA] =	sst s10  }
0x35: {  	s10 =	sld [smem:$0x3FB9];
	_ =	sdelay $0x3  }
0x36: {  	p1 =	seq.s32 s10, $0x1;
	s10 =	sld [smem:$0x3FBA];
	_ =	sdelay $0x3  }
0x37: {  	[smem:$0x3FBA] =	sst s10  }
0x38: {  	s10 =	sld [smem:$0x3FBB]  }
0x39: {  	_ = 	snop;
	(pc) =	sbr.ind lr, $3  }
0x3a: {  	_ = 	snop  }
0x3b: {  	_ = 	snop  }
0x3c: {  	p2 =	seq.s32 s10, $0x1;
	s10 =	sld [smem:$0x3FBA]  }
0x3d: {  	_ =	shalt  }
0x3e: {  	_ =	shalt  }
0x3f: {  	_ =	shalt  }
0x40: {  	_ =	shalt  }
0x41: {  	_ =	shalt  }
0x42: {  	_ =	shalt  }
0x43: {  	_ =	shalt  }
0x44: {  	_ =	shalt  }
0x45: {  	_ =	shalt  }
0x46: {  	_ =	shalt  }
0x47: {  	_ =	shalt  }
0x48: {  	_ =	shalt  }
0x49: {  	_ =	shalt  }
0x4a: {  	_ =	shalt  }
0x4b: {  	_ =	shalt  }
0x4c: {  	_ =	shalt  }
0x4d: {  	_ =	shalt  }
0x4e: {  	_ =	shalt  }
0x4f: {  	_ =	shalt  }
0x50: {  	_ =	shalt  }
0x51: {  	_ =	shalt  }
0x52: {  	_ =	shalt  }
0x53: {  	_ =	shalt  }
0x54: {  	_ =	shalt  }
0x55: {  	_ =	shalt  }
0x56: {  	_ =	shalt  }
0x57: {  	_ =	shalt  }
0x58: {  	_ =	shalt  }
0x59: {  	_ =	shalt  }
0x5a: {  	_ =	shalt  }
0x5b: {  	_ =	shalt  }
0x5c: {  	_ =	shalt  }
0x5d: {  	_ =	shalt  }
0x5e: {  	_ =	shalt  }
0x5f: {  	_ =	shalt  }
0x60: {  	_ =	shalt  }
0x61: {  	_ =	shalt  }
0x62: {  	_ =	shalt  }
0x63: {  	_ =	shalt  }
0x64: {  	_ =	shalt  }
0x65: {  	_ =	shalt  }
0x66: {  	_ =	shalt  }
0x67: {  	_ =	shalt  }
0x68: {  	_ =	shalt  }
0x69: {  	_ =	shalt  }
0x6a: {  	_ =	shalt  }
0x6b: {  	_ =	shalt  }
0x6c: {  	_ =	shalt  }
0x6d: {  	_ =	shalt  }
0x6e: {  	_ =	shalt  }
0x6f: {  	_ =	shalt  }
0x70: {  	_ =	shalt  }
0x71: {  	_ =	shalt  }
0x72: {  	_ =	shalt  }
0x73: {  	_ =	shalt  }
0x74: {  	_ =	shalt  }
0x75: {  	_ =	shalt  }
0x76: {  	_ =	shalt  }
0x77: {  	_ =	shalt  }
0x78: {  	_ =	shalt  }
0x79: {  	_ =	shalt  }
0x7a: {  	_ =	shalt  }
0x7b: {  	_ =	shalt  }
0x7c: {  	_ =	shalt  }
0x7d: {  	_ =	shalt  }
0x7e: {  	_ =	shalt  }
0x7f: {  	_ =	shalt  }
0x80: {  	_ =	shalt  }
0x81: {  	_ =	shalt  }
0x82: {  	_ =	shalt  }
0x83: {  	_ =	shalt  }
0x84: {  	_ =	shalt  }
0x85: {  	_ =	shalt  }
0x86: {  	_ =	shalt  }
0x87: {  	_ =	shalt  }
.Lfunc_end0:
.L_simem_size_0:
called_computation_lowered:
.L_overlay_start_0:
0x88: {  	s2 =	sld [smem:$0x3FD9]  }
0x89: {  	s3 =	sld [smem:$0x3FFE];
	_ =	sdelay $0x1  }
0x8a: {  	s1 =	srdreg.scid  }
0x8b: {  	s0 =	sand.u32 $0x1, s1  }
0x8c: {  	s16 =	sshll.u32 s0, $0xA;
	s2 =	sadd.s32 s3, s2  }
0x8d: {  	s2 =	sadd.s32 s2, s16  }
0x8e: {  	[smem:$0x3FC6] =	sst s2  }
0x8f: {  	_ = 	snop  }
0x90: {  	(tm) =	ssettm $0x1  }
0x91: {  	s17 =	sld [smem:$0x3FFB];
	_ =	sdelay $0x3  }
0x92: {  	_ =	strace s17  }
0x93: {  	s2 =	sld [smem:$0x3FFC];
	_ =	sdelay $0x3  }
0x94: {  	_ =	strace s2  }
0x95: {  	s2 =	sld [smem:$0x3FFD];
	_ =	sdelay $0x3  }
0x96: {  	_ =	strace s2  }
0x97: {  	_ =	strace $0x8FFFFFFF  }
0x98: {  	s18 =	sld [smem:$0x3FDB];
	_ =	sdelay $0x1  }
0x99: {  	s19 =	simm.s32 $_scs_section_size  }
0x9a: {  	s4 =	simm.s32 $_size__tile_overlayer_lowered;
	s5 =	simm.s32 $_tile_overlayer_lowered  }
0x9b: {  	s22 =	simm.s32 $0x1BFF;
	s21 =	sshll.u32 s5, $0x1;
	s2 =	sadd.s32 s19, s18  }
0x9c: {  	s6 =	simm.s32 $0x0;
	s20 =	sshll.u32 s4, $0x1;
	s4 =	sadd.s32 s21, s2  }
0x9d: {  	[timem:s6], [sflag:s22] =	dma.local [hbm:s4], s20  }
0x9e: {  	_ =	swait.ge [sflag:s22], s20  }
0x9f: {  	s3 =	ssub.s32 $0x0, s20;
	[sflag:s22] =	ssyncset.done $0x0  }
0xa0: {  	[sflag:s22] =	ssyncadd.s32 s3;
	_ =	sdelay $0x1  }
0xa1: {  	s23 =	simm.s32 $0x1B8B  }
0xa2: {  	_ =	swait.ge [sflag:s23], $0x1  }
0xa3: {  	[sflag:s23] =	ssyncset.done $0x0  }
0xa4: {  	s25 =	simm.s32 $0x1B8E;
	s24 =	sld [smem:$0x3FFE];
	[sflag:s23] =	ssyncadd.s32 $0xFFFFFFFF  }
0xa5: {  	s26 =	simm.s32 $execute0_lowered;
	[smem:$0x3FD2] =	sst s25  }
0xa6: {  	s4 =	sshll.u32 s26, $0x1;
	_ =	strace $0x80000046;
	[dreg:$0x1] =	wrdreg $0xFFFFFFFF  }
0xa7: {  	s28 =	simm.s32 $_size_execute0_lowered;
	s2 =	sadd.s32 s2, s4;
	[dreg:$0x0] =	wrdreg $0x0  }
0xa8: {  	s4 =	sshll.u32 s28, $0x1;
	[dreg:$0x2] =	wrdreg s2  }
0xa9: {  	[dreg:$0x3] =	wrdreg s4  }
0xaa: {  	[dreg:$0x4] =	wrdreg $0xC0  }
0xab: {  	_ =	task [dreg:s6], $0x5FFFF  }
0xac: {  	[dreg:$0x1] =	wrdreg $0xFFFFFFFF  }
0xad: {  	[dreg:$0x0] =	wrdreg $0x60  }
0xae: {  	[dreg:$0x2] =	wrdreg s24  }
0xaf: {  	[dreg:$0x3] =	wrdreg $0x9  }
0xb0: {  	_ =	task.clear_ibuf [dreg:s6], $0x4FFFF;
	_ =	strace $0x90000046  }
0xb1: {  	s29 =	simm.s32 $0x9;
	_ =	strace $0x80000048  }
0xb2: {  	_ =	swait.ge [sflag:s29], $0x1  }
0xb3: {  	[sflag:s29] =	ssyncadd.s32 $0xFFFFFFFF  }
0xb4: {  	_ =	strace $0x90000048  }
0xb5: {  	_ =	sfence  }
0xb6: {  	s30 =	sld [smem:$0x0];
	_ =	sdelay $0x2  }
0xb7: {  	s31 =	sshll.u32 s1, $0xD;
	s1 =	sshrl.u32 s1, $0x2  }
0xb8: {  	s3 =	sand.u32 $0x4000, s31;
	s1 =	sadd.s32 s1, s30  }
0xb9: {  	s0 =	sor.u32 s3, s0;
	s1 =	sshll.u32 s1, $0x11  }
0xba: {  	s0 =	sor.u32 s1, s0  }
0xbb: {  	s0 =	sadd.s32 $0x8F2B, s0  }
0xbc: {  	[sflag:s0] =	ssyncadd.remote.s32 $0x1  }
0xbd: {  	_ =	sfence.sel $0xFFFF  }
0xbe: {  	[dreg:$0x0] =	wrdreg $0xFFFFFFFF;
	(pc) =	sbr.abs _section_cstart, $3  }
0xbf: {  	[dreg:$0x1] =	wrdreg $0xFFFFFFFF  }
0xc0: {  	_ =	task.clear_ibuf [dreg:s6], $0x2FFFF;
	_ =	strace $0x9FFFFFFF  }
0xc1: {  	(tm) =	ssettm $0x7FFFFFFF  }
tec
execute0_lowered:
.L_overlay_start_1:
0x0: {  	(tag) =	ssettag $0x1  }
0x1: {  	s1 =	srdreg.scid;
	s0 =	stileid.u32  }
0x2: {  	s2 =	rddreg [dreg:$0x0];
	s8 =	simm.s32 $0x400;
	s9 =	simm.s32 $0x1  }
0x3: {  	s10 =	simm.s32 $0x1980;
	s11 =	simm.s32 $0x0;
	s5 =	sand.u32 $0x1, s1  }
0x4: {  	s3 =	sshll.u32 s0, $0x6;
	s1 =	rddreg [dreg:$0x1];
	s4 =	sshll.u32 s5, $0x5  }
0x5: {  	s5 =	ssub.s32 $0x2, s5;
	s3 =	sor.u32 s4, s3;
	s4 =	simm.s32 $0x0  }
0x6: {  	s7 =	sshrl.u32 s5, $0x1;
	s6 =	sshll.u32 s3, $0x4;
	[smem:$0x7FF] =	sst s4  }
0x7: {  	s7 =	ssub.s32 s5, s7;
	s6 =	sadd.s32 s6, s2;
	_ =	strace $0x80000047  }
0x8: {  	s5 =	sadd.s32 $0xC38000, s6;
	s6 =	smax.u32 s7, $0x1;
	s7 =	simm.s32 $0x80  }
.LBB2_1:
0x9: {  	s12 =	simm.s32 $0x0  }
.LBB2_2:
0xa: {  	s13 =	sor.u32 s3, s12  }
0xb: {  	s13 =	sshrl.u32 s13, $0x3  }
0xc: {  	s14 =	smul.u32 $0xC3800, s13;
	s13 =	sshll.u32 s12, $0x7  }
0xd: {  	s15 =	sand.u32 $0x380, s13  }
0xe: {  	s14 =	sor.u32 s15, s14  }
0xf: {  	s14 =	sadd.s32 $0xB6C00, s14  }
0x10: {  	s14 =	sshrl.u32 s14, $0x3  }
0x11: {  	s28 =	simm.s32 $0x0;
	s14 =	sadd.s32 s2, s14  }
0x12: {  	[tilespmem:s28], [sflag:$0x1] =	stream.strided.gather [hbm4b:s14+s7], $0x1980, s8, s7, $0x38;
	[tilespmem:$0x2980] =	vst v63  }
0x13: {  	_ =	swait.ge [sflag:s9], $0x1980  }
0x14: {  	[sflag:s9] =	ssyncset.done $0x0  }
0x15: {  	s29 =	simm.s32 $0x0;
	[sflag:s9] =	ssyncadd.s32 $0xFFFFE680  }
0x16: {  	v0 =	vld [tilespmem:s29+$0x30]  }
0x17: {  	v1 =	vld [tilespmem:s29+$0x0]  }
0x18: {  	v2 =	vld [tilespmem:s29+$0x10]  }
0x19: {  	v3 =	vld [tilespmem:s29+$0x20];
	_ =	sdelay $0x1  }
0x1a: {  	s30 =	simm.s32 $0x40  }
0x1b: {  	v4 =	vld [tilespmem:s30+$0x30];
	v0 =	vmul.f32 $2.000000000e+01, v0  }
0x1c: {  	v5 =	vld [tilespmem:s30+$0x0];
	v1 =	vmul.f32 $2.000000000e+01, v1;
	v2 =	vmul.f32 $2.000000000e+01, v2  }
0x1d: {  	v3 =	vmul.f32 $2.000000000e+01, v3;
	v0 =	vmul.f32 $1.442695020e+00, v0  }
0x1e: {  	v1 =	vmul.f32 $1.442695020e+00, v1;
	v2 =	vmul.f32 $1.442695020e+00, v2  }
0x1f: {  	v7 =	vld [tilespmem:s30+$0x20];
	(erf) = vpow2.f32 v0;
	v0 =	vmul.f32 $1.442695020e+00, v3  }
0x20: {  	v6 =	vld [tilespmem:s30+$0x10];
	(erf) = vpow2.f32 v1;
	v1 =	vmul.f32 $2.000000000e+01, v4  }
0x21: {  	(erf) = vpow2.f32 v2;
	v2 =	vmul.f32 $2.000000000e+01, v5  }
0x22: {  	v1 =	vmul.f32 $1.442695020e+00, v1  }
0x23: {  	s31 =	simm.s32 $0x80;
	(erf) = vpow2.f32 v0;
	v2 =	vmul.f32 $1.442695020e+00, v2  }
0x24: {  	v3 =	vmul.f32 $2.000000000e+01, v7;
	v4 =	vld [tilespmem:s31+$0x30];
	(erf) = vpow2.f32 v1  }
0x25: {  	v5 =	vld [tilespmem:s31+$0x0];
	v0 =	vmul.f32 $2.000000000e+01, v6;
	(erf) = vpow2.f32 v2  }
0x26: {  	v6 =	vld [tilespmem:s31+$0x10]  }
0x27: {  	v7 =	vld [tilespmem:s31+$0x20];
	v9 =	vmul.f32 $1.442695020e+00, v3;
	v3 =	vimm.f32 $0.0e+00;
	v8 =	vmul.f32 $1.442695020e+00, v0  }
0x28: {  	s14 =	simm.s32 $0x300;
	v0 =	vimm.f32 $0.0e+00;
	v1 =	vimm.f32 $0.0e+00;
	v2 =	vimm.f32 $0.0e+00  }
.LBB2_3:
0x29: {  	s15 =	sshra.s32 s14, $0x2;
	p0 =	sne.s32 s14, $0x6300;
	s14 =	sadd.s32 $0x100, s14;
	v10 =	vmul.f32 $2.000000000e+01, v4;
	(erf) = vpow2.f32 v8  }
.Ltmp0:
0x2a: {  	v4 =	vld [tilespmem:s15+$0x30];
	v8 =	vmul.f32 $2.000000000e+01, v5;
	(erf) = vpow2.f32 v9;
	v9 =	vpop (erf);
	(pc) =	sbr.rel @p0 .LBB2_3-.Ltmp0, $4  }
0x2b: {  	v5 =	vld [tilespmem:s15+$0x0];
	v11 =	vmul.f32 $2.000000000e+01, v6;
	v14 =	vmul.f32 $1.442695020e+00, v10;
	v0 =	vadd.f32 v9, v0;
	v9 =	vpop (erf)  }
0x2c: {  	v6 =	vld [tilespmem:s15+$0x10];
	v12 =	vmul.f32 $1.442695020e+00, v8;
	v13 =	vmul.f32 $2.000000000e+01, v7;
	v3 =	vadd.f32 v9, v3;
	v9 =	vpop (erf)  }
0x2d: {  	v7 =	vld [tilespmem:s15+$0x20];
	v8 =	vmul.f32 $1.442695020e+00, v11;
	(erf) = vpow2.f32 v14;
	v1 =	vadd.f32 v9, v1;
	v10 =	vpop (erf)  }
0x2e: {  	v9 =	vmul.f32 $1.442695020e+00, v13;
	(erf) = vpow2.f32 v12;
	v2 =	vadd.f32 v10, v2  }
0x2f: {  	v4 =	vmul.f32 $2.000000000e+01, v4;
	(erf) = vpow2.f32 v8  }
0x30: {  	v5 =	vmul.f32 $2.000000000e+01, v5;
	(erf) = vpow2.f32 v9  }
0x31: {  	v6 =	vmul.f32 $2.000000000e+01, v6;
	v4 =	vmul.f32 $1.442695020e+00, v4  }
0x32: {  	v5 =	vmul.f32 $1.442695020e+00, v5;
	v7 =	vmul.f32 $2.000000000e+01, v7  }
0x33: {  	v6 =	vmul.f32 $1.442695020e+00, v6;
	(erf) = vpow2.f32 v4  }
0x34: {  	v53 =	vpop (erf);
	v7 =	vmul.f32 $1.442695020e+00, v7;
	(erf) = vpow2.f32 v5  }
0x35: {  	v54 =	vpop (erf);
	(erf) = vpow2.f32 v6  }
0x36: {  	v55 =	vpop (erf);
	(erf) = vpow2.f32 v7  }
0x37: {  	v56 =	vpop (erf)  }
0x38: {  	v57 =	vpop (erf)  }
0x39: {  	v58 =	vpop (erf)  }
0x3a: {  	v10 =	vpop (erf)  }
0x3b: {  	v0 =	vadd.f32 v53, v0;
	v3 =	vadd.f32 v54, v3;
	v59 =	vpop (erf)  }
0x3c: {  	v1 =	vadd.f32 v55, v1;
	v2 =	vadd.f32 v56, v2;
	v60 =	vpop (erf)  }
0x3d: {  	v0 =	vadd.f32 v57, v0;
	v3 =	vadd.f32 v58, v3;
	v61 =	vpop (erf)  }
0x3e: {  	v1 =	vadd.f32 v10, v1;
	v2 =	vadd.f32 v59, v2;
	v62 =	vpop (erf)  }
0x3f: {  	v0 =	vadd.f32 v60, v0;
	v3 =	vadd.f32 v61, v3;
	v63 =	vpop (erf)  }
0x40: {  	s12 =	sadd.s32 $0x1, s12;
	v1 =	vadd.f32 v62, v1;
	v2 =	vadd.f32 v63, v2  }
0x41: {  	p0 =	sne.s32 s12, $0x20  }
.Ltmp1:
0x42: {  	v1 =	vadd.f32 v1, v3;
	v0 =	vadd.f32 v0, v2;
	(pc) =	sbr.rel @p0 .LBB2_2-.Ltmp1, $4  }
0x43: {  	_ = 	snop  }
0x44: {  	v0 =	vadd.f32 v0, v1  }
0x45: {  	s13 =	sand.u32 $0x3FFFFF80, s13  }
0x46: {  	[tilespmem:s13+$0x1980] =	vst v0  }
0x47: {  	s11 =	sadd.s32 $0x1, s11  }
0x48: {  	p0 =	sne.s32 s11, s6  }
.Ltmp2:
0x49: {  	_ = 	snop;
	(pc) =	sbr.rel @p0 .LBB2_1-.Ltmp2, $4  }
0x4a: {  	[hbm4b:s5+s4] =	stream.linear.scatter [tilespmem:s10], [sflag:$0x1], $0x1000, $0x38;
	[tilespmem:$0x2980] =	vst v63  }
0x4b: {  	_ =	swait.ge [sflag:s9], $0x1000  }
0x4c: {  	[sflag:s9] =	ssyncset.done $0x0  }
0x4d: {  	[sflag:s9] =	ssyncadd.s32 $0xFFFFF000  }
0x4e: {  	_ =	sfence.sel $0x180000  }
0x4f: {  	[bflag:$0x0] =	sbarrier.arrive $0xFFFF  }
0x50: {  	p0 =	sne.s32 s0, $0x0;
	_ =	strace $0x90000047  }
0x51: {  	s0 =	sadd.s32 @!p0 $0x100000, s1;
	[bflag:$0x2] =	sbarrier.arrive $0xFFFF  }
0x52: {  	[sflag:s0] =	ssyncadd.tile.s32 @!p0 $0x1;
	_ =	shalt  }
.Lfunc_end2:
_tile_overlayer_lowered:
.L_overlay_start_2:
0x53: {  	(tag) =	ssettag $0x2  }
0x54: {  	s0 =	rddreg [dreg:$0x0];
	s2 =	stileid.u32  }
0x55: {  	s1 =	rddreg [dreg:$0x1];
	p0 =	sne.s32 s2, $0x0  }
0x56: {  	s3 =	rddreg [dreg:$0x2];
	[bflag:$0x3] =	sbarrier.arrive $0xFFFF;
	s2 =	simm.s32 @!p0 $0x1C01  }
0x57: {  	[timem:s3], [sflag:s2] =	dma.local @!p0 [hbm:s0], s1  }
0x58: {  	s0 =	simm.s32 @!p0 $0x1  }
0x59: {  	_ =	swait.ge @!p0 [sflag:s0], s1  }
0x5a: {  	s1 =	ssub.s32 @!p0 $0x0, s1;
	[sflag:s0] =	ssyncset.done @!p0 $0x0  }
0x5b: {  	[sflag:s0] =	ssyncadd.s32 @!p0 s1  }
0x5c: {  	[bflag:$0x3] =	sbarrier.arrive $0xFFFF  }
0x5d: {  	_ =	shalt  }

</sc_bundles>
